<compile_context>
chip_gen: v7x
topology: tpu7x:2x2x1
jax: 0.10.2.dev20260603
libtpu: 0.0.44.dev20260713+nightly
codegen_flags: <defaults>
</compile_context>

<pallas_src>
import math

import jax
import jax.numpy as jnp
from jax import lax
from jax.experimental import pallas as pl
from jax.experimental.pallas import tpu as pltpu
from jax.experimental.pallas import tpu_sc as plsc

NC = 2
NS = 16
NW = NC * NS
L = 16


def _sc_partials(x, src_r, dst_r, acc_rows, ch, k, csb, depth):
    n, d = x.shape
    zt = acc_rows // NS
    mesh = plsc.VectorSubcoreMesh(core_axis_name="c", subcore_axis_name="s")
    zc = (k // 8) * 8
    zoffs = [(off, min(zc, zt - off)) for off in range(0, zt, zc)]

    lt = n - (NS - 1) * zt

    def body(x_hbm, src_hbm, dst_hbm, out_hbm, src_v, dst_v, *rest):
        bufs = rest[:depth]
        acc = rest[depth]
        sems = rest[depth + 1:]
        cid = lax.axis_index("c")
        sid = lax.axis_index("s")
        wid = sid * NC + cid

        zero = jnp.zeros((L,), jnp.float32)

        def zrow(j, carry):
            for t in range(0, d, L):
                bufs[0][j, pl.ds(t, L)] = zero
            return carry

        lax.fori_loop(0, k, zrow, 0)
        zbase = pl.multiple_of(sid * zt, 8)
        for off, sz in zoffs:
            pltpu.sync_copy(bufs[0].at[pl.ds(0, sz)],
                            acc.at[pl.ds(zbase + off, sz)])
        plsc.subcore_barrier()

        for sb in range(ch // csb):
            pltpu.sync_copy(src_hbm.at[wid, pl.ds(sb * csb, csb)], src_v)
            pltpu.sync_copy(dst_hbm.at[wid, pl.ds(sb * csb, csb)], dst_v)
            for b in range(depth):
                pltpu.async_copy(x_hbm.at[src_v.at[b]], bufs[b], sems[b])

            def step(i, carry):
                j0 = depth * i
                for b in range(depth):
                    j = j0 + b
                    pltpu.make_async_copy(x_hbm.at[src_v.at[j]],
                                          bufs[b], sems[b]).wait()
                    pltpu.sync_copy(bufs[b], acc.at[dst_v.at[j]], add=True)

                    @pl.when(j + depth < csb)
                    def _():
                        pltpu.async_copy(x_hbm.at[src_v.at[j + depth]],
                                         bufs[b], sems[b])
                return carry

            lax.fori_loop(0, csb // depth, step, 0)
        plsc.subcore_barrier()

        @pl.when(sid < NS - 1)
        def _():
            pltpu.sync_copy(acc.at[pl.ds(zbase, zt)],
                            out_hbm.at[cid, pl.ds(sid * zt, zt)])

        @pl.when(sid == NS - 1)
        def _():
            pltpu.sync_copy(acc.at[pl.ds(zbase, lt)],
                            out_hbm.at[cid, pl.ds((NS - 1) * zt, lt)])

    call = pl.kernel(
        body,
        out_type=jax.ShapeDtypeStruct((NC, n, d), jnp.float32),
        mesh=mesh,
        scratch_types=(
            [pltpu.VMEM((csb, k), jnp.int32),
             pltpu.VMEM((csb, k), jnp.int32)]
            + [pltpu.VMEM((k, d), jnp.float32) for _ in range(depth)]
            + [pltpu.VMEM_SHARED((acc_rows, d), jnp.float32)]
            + [pltpu.SemaphoreType.DMA for _ in range(depth)]
        ),
    )
    return call(x, src_r, dst_r)


def _combine(p0, p1, nn, n):
    d = p0.shape[1]
    r = next((b for b in (2000, 1000, 400, 200, 80, 40, 16, 8) if n % b == 0), n)

    def body(nn_ref, a_ref, b_ref, o_ref):
        i = pl.program_id(0)
        rows = lax.broadcasted_iota(jnp.int32, (r, d), 0) + i * r
        s = a_ref[...] + b_ref[...]
        o_ref[...] = jnp.where(rows < nn_ref[0], s, 0.0)

    return pl.pallas_call(
        body,
        grid=(n // r,),
        in_specs=[
            pl.BlockSpec(memory_space=pltpu.SMEM),
            pl.BlockSpec((r, d), lambda i: (i, 0)),
            pl.BlockSpec((r, d), lambda i: (i, 0)),
        ],
        out_specs=pl.BlockSpec((r, d), lambda i: (i, 0)),
        out_shape=jax.ShapeDtypeStruct((n, d), jnp.float32),
    )(nn, p0, p1)


def kernel(x, edge_index, num_nodes):
    n, d = x.shape
    e = edge_index.shape[1]
    ei = edge_index.astype(jnp.int32)

    acc_rows = ((n + NS * 8 - 1) // (NS * 8)) * (NS * 8)

    budget = 2097151 - acc_rows * d - 30000
    best = None
    for k in range(128, 7, -1):
        if e % (NW * k):
            continue
        ch = e // (NW * k)
        bufw = ((k + 7) // 8) * 8 * (((d + 127) // 128) * 128)
        for depth in range(6, 1, -1):
            for csb in range(min(48, ch), 0, -1):
                if ch % csb or csb % depth:
                    continue
                idxw = ((csb + 7) // 8) * 8 * (((k + 127) // 128) * 128)
                if NS * (2 * idxw + depth * bufw) <= budget:
                    if best is None or (k, depth) > (best[1], best[0]):
                        best = (depth, k, csb)
                    break
    depth, k, csb = best
    ch = e // (NW * k)
    er = ei.reshape(2, NW, ch, k)

    p = _sc_partials(x, er[0], er[1], acc_rows, ch, k, csb, depth)
    nn = jnp.reshape(num_nodes, (1,)).astype(jnp.int32)
    return _combine(p[0], p[1], nn, n)

# --- scband reference (transcript-rebuilt; emitter-appended) ---
"""Pipeline reference for scband-base-layer-22582938042803 (READ-ONLY COPY).

The authoritative reference and input builder live on the scoring server;
editing this copy changes nothing except your own understanding.
"""

import jax, jax.numpy as jnp
import numpy as np

N_NODES = 10000
N_EDGES = 320000
D_FEAT = 128

def setup_inputs(seed: int = 0) -> dict:
    key = jax.random.key(seed)
    kx, ke = jax.random.split(key)
    x = jax.random.normal(kx, (N_NODES, D_FEAT), dtype=jnp.float32)
    edge_index = jax.random.randint(ke, (2, N_EDGES), 0, N_NODES, dtype=jnp.int64 if jax.config.jax_enable_x64 else jnp.int32).astype(jnp.int32)
    return {"x": x, "edge_index": edge_index, "num_nodes": N_NODES}

def reference(x, edge_index, num_nodes):
    # message: identity on gathered source-node features
    m = jnp.take(x, edge_index[0], axis=0)
    # aggregate: scatter-add into destination nodes
    num_segments = x.shape[0]
    result = jax.ops.segment_sum(m, edge_index[1], num_segments=num_segments)
    valid = jnp.arange(num_segments) < num_nodes
    result = jnp.where(valid[:, None], result, jnp.zeros_like(result))
    return result

if __name__ == "__main__":
    import jax
    _d = setup_inputs()
    print(jax.jit(kernel)(*tuple(_d.values())))

</pallas_src>

<mosaic_0001>
#map = affine_map<(d0, d1) -> (0, 0)>
#map1 = affine_map<(d0, d1) -> (0, 0, 0)>
module attributes {stable_mosaic.version = 14 : i64} {
  func.func @body(%arg0: i32, %arg1: i32, %arg2: memref<10000x128xf32, #tpu.memory_space<hbm>>, %arg3: memref<32x80x125xi32, #tpu.memory_space<hbm>>, %arg4: memref<32x80x125xi32, #tpu.memory_space<hbm>>, %arg5: memref<2x10000x128xf32, #tpu.memory_space<hbm>>, %arg6: memref<40x125xi32, #tpu.memory_space<vmem>>, %arg7: memref<40x125xi32, #tpu.memory_space<vmem>>, %arg8: memref<125x128xf32, #tpu.memory_space<vmem>>, %arg9: memref<125x128xf32, #tpu.memory_space<vmem>>, %arg10: memref<10112x128xf32, #tpu.memory_space<vmem_shared>>, %arg11: memref<!tpu.dma_semaphore, #tpu.memory_space<semaphore_mem>>, %arg12: memref<!tpu.dma_semaphore, #tpu.memory_space<semaphore_mem>>) attributes {dimension_semantics = [#tpu.dimension_semantics<core_parallel>, #tpu.dimension_semantics<subcore_parallel>], iteration_bounds = array<i64: 2, 16>, scalar_prefetch = 0 : i64, scratch_operands = 7 : i64, tpu.core_type = #tpu.core_type<sc_vector_subcore>, window_params = [{transform_indices = #map}, {transform_indices = #map1}, {transform_indices = #map1}, {transform_indices = #map1}]} {
    %mul3A = arith.constant 2 : i32
    %mul3A_0 = arith.muli %arg1, %mul3A : i32
    %add3A = arith.addi %mul3A_0, %arg0 : i32
    %broadcast_in_dim3A = arith.constant 0.000000e+00 : f32
    %broadcast_in_dim3A_1 = vector.broadcast %broadcast_in_dim3A : f32 to vector<16xf32>
    %scan3A = arith.constant 0 : i32
    %scan3A_2 = arith.constant 0 : i32
    %scan3A_3 = arith.constant 125 : i32
    %scan3A_4 = arith.addi %scan3A_2, %scan3A_3 : i32
    %scan3A_5 = arith.constant 1 : i32
    scf.for %scan3A_67 = %scan3A_2 to %scan3A_4 step %scan3A_5  : i32 {
      %swap3A = arith.index_cast %scan3A_67 : i32 to index
      %swap3A_68 = arith.constant 0 : index
      %swap3A_69 = tpu.vector_load %arg8[%swap3A, %swap3A_68] {strides = array<i32>} : memref<125x128xf32, #tpu.memory_space<vmem>>, vector<1x16xf32>,
      %swap3A_70 = vector.shape_cast %swap3A_69 : vector<1x16xf32> to vector<16xf32>
      %swap3A_71 = vector.shape_cast %broadcast_in_dim3A_1 : vector<16xf32> to vector<1x16xf32>
      tpu.vector_store %arg8[%swap3A, %swap3A_68], %swap3A_71 {strides = array<i32>} : memref<125x128xf32, #tpu.memory_space<vmem>>, vector<1x16xf32>,
      %swap3A_72 = arith.index_cast %scan3A_67 : i32 to index
      %swap3A_73 = arith.constant 16 : index
      %swap3A_74 = tpu.vector_load %arg8[%swap3A_72, %swap3A_73] {strides = array<i32>} : memref<125x128xf32, #tpu.memory_space<vmem>>, vector<1x16xf32>,
      %swap3A_75 = vector.shape_cast %swap3A_74 : vector<1x16xf32> to vector<16xf32>
      %swap3A_76 = vector.shape_cast %broadcast_in_dim3A_1 : vector<16xf32> to vector<1x16xf32>
      tpu.vector_store %arg8[%swap3A_72, %swap3A_73], %swap3A_76 {strides = array<i32>} : memref<125x128xf32, #tpu.memory_space<vmem>>, vector<1x16xf32>,
      %swap3A_77 = arith.index_cast %scan3A_67 : i32 to index
      %swap3A_78 = arith.constant 32 : index
      %swap3A_79 = tpu.vector_load %arg8[%swap3A_77, %swap3A_78] {strides = array<i32>} : memref<125x128xf32, #tpu.memory_space<vmem>>, vector<1x16xf32>,
      %swap3A_80 = vector.shape_cast %swap3A_79 : vector<1x16xf32> to vector<16xf32>
      %swap3A_81 = vector.shape_cast %broadcast_in_dim3A_1 : vector<16xf32> to vector<1x16xf32>
      tpu.vector_store %arg8[%swap3A_77, %swap3A_78], %swap3A_81 {strides = array<i32>} : memref<125x128xf32, #tpu.memory_space<vmem>>, vector<1x16xf32>,
      %swap3A_82 = arith.index_cast %scan3A_67 : i32 to index
      %swap3A_83 = arith.constant 48 : index
      %swap3A_84 = tpu.vector_load %arg8[%swap3A_82, %swap3A_83] {strides = array<i32>} : memref<125x128xf32, #tpu.memory_space<vmem>>, vector<1x16xf32>,
      %swap3A_85 = vector.shape_cast %swap3A_84 : vector<1x16xf32> to vector<16xf32>
      %swap3A_86 = vector.shape_cast %broadcast_in_dim3A_1 : vector<16xf32> to vector<1x16xf32>
      tpu.vector_store %arg8[%swap3A_82, %swap3A_83], %swap3A_86 {strides = array<i32>} : memref<125x128xf32, #tpu.memory_space<vmem>>, vector<1x16xf32>,
      %swap3A_87 = arith.index_cast %scan3A_67 : i32 to index
      %swap3A_88 = arith.constant 64 : index
      %swap3A_89 = tpu.vector_load %arg8[%swap3A_87, %swap3A_88] {strides = array<i32>} : memref<125x128xf32, #tpu.memory_space<vmem>>, vector<1x16xf32>,
      %swap3A_90 = vector.shape_cast %swap3A_89 : vector<1x16xf32> to vector<16xf32>
      %swap3A_91 = vector.shape_cast %broadcast_in_dim3A_1 : vector<16xf32> to vector<1x16xf32>
      tpu.vector_store %arg8[%swap3A_87, %swap3A_88], %swap3A_91 {strides = array<i32>} : memref<125x128xf32, #tpu.memory_space<vmem>>, vector<1x16xf32>,
      %swap3A_92 = arith.index_cast %scan3A_67 : i32 to index
      %swap3A_93 = arith.constant 80 : index
      %swap3A_94 = tpu.vector_load %arg8[%swap3A_92, %swap3A_93] {strides = array<i32>} : memref<125x128xf32, #tpu.memory_space<vmem>>, vector<1x16xf32>,
      %swap3A_95 = vector.shape_cast %swap3A_94 : vector<1x16xf32> to vector<16xf32>
      %swap3A_96 = vector.shape_cast %broadcast_in_dim3A_1 : vector<16xf32> to vector<1x16xf32>
      tpu.vector_store %arg8[%swap3A_92, %swap3A_93], %swap3A_96 {strides = array<i32>} : memref<125x128xf32, #tpu.memory_space<vmem>>, vector<1x16xf32>,
      %swap3A_97 = arith.index_cast %scan3A_67 : i32 to index
      %swap3A_98 = arith.constant 96 : index
      %swap3A_99 = tpu.vector_load %arg8[%swap3A_97, %swap3A_98] {strides = array<i32>} : memref<125x128xf32, #tpu.memory_space<vmem>>, vector<1x16xf32>,
      %swap3A_100 = vector.shape_cast %swap3A_99 : vector<1x16xf32> to vector<16xf32>
      %swap3A_101 = vector.shape_cast %broadcast_in_dim3A_1 : vector<16xf32> to vector<1x16xf32>
      tpu.vector_store %arg8[%swap3A_97, %swap3A_98], %swap3A_101 {strides = array<i32>} : memref<125x128xf32, #tpu.memory_space<vmem>>, vector<1x16xf32>,
      %swap3A_102 = arith.index_cast %scan3A_67 : i32 to index
      %swap3A_103 = arith.constant 112 : index
      %swap3A_104 = tpu.vector_load %arg8[%swap3A_102, %swap3A_103] {strides = array<i32>} : memref<125x128xf32, #tpu.memory_space<vmem>>, vector<1x16xf32>,
      %swap3A_105 = vector.shape_cast %swap3A_104 : vector<1x16xf32> to vector<16xf32>
      %swap3A_106 = vector.shape_cast %broadcast_in_dim3A_1 : vector<16xf32> to vector<1x16xf32>
      tpu.vector_store %arg8[%swap3A_102, %swap3A_103], %swap3A_106 {strides = array<i32>} : memref<125x128xf32, #tpu.memory_space<vmem>>, vector<1x16xf32>,
    }
    %scan3A_6 = arith.constant 125 : i32
    %mul3A_7 = arith.constant 632 : i32
    %mul3A_8 = arith.muli %arg1, %mul3A_7 : i32
    %multiple_of3A = tpu.assume_multiple %mul3A_8, 8 : i32
    %add3A_9 = arith.constant 0 : i32
    %add3A_10 = arith.addi %multiple_of3A, %add3A_9 : i32
    "tpu.region"() ({
      %run_scoped3A = tpu.sem_alloc : memref<!tpu.dma_semaphore, #tpu.memory_space<semaphore_mem>>
      %dma_start3A_67 = arith.constant 0 : i32
      %dma_start3A_68 = arith.constant 0 : i32
      %dma_start3A_69 = tpu.memref_slice %arg8[%dma_start3A_67, %dma_start3A_68] : memref<125x128xf32, #tpu.memory_space<vmem>> -> memref<120x128xf32, #tpu.memory_space<vmem>>
      %dma_start3A_70 = arith.constant 0 : i32
      %dma_start3A_71 = tpu.memref_slice %arg10[%add3A_10, %dma_start3A_70] : memref<10112x128xf32, #tpu.memory_space<vmem_shared>> -> memref<120x128xf32, #tpu.memory_space<vmem_shared>>
      %dma_start3A_72 = arith.constant 0 : i32
      %dma_start3A_73 = tpu.memref_slice %arg10[%add3A_10, %dma_start3A_72] : memref<10112x128xf32, #tpu.memory_space<vmem_shared>> -> memref<120x128xf32, #tpu.memory_space<vmem_shared>>
      %dma_start3A_74 = arith.constant 0 : i32
      %dma_start3A_75 = arith.constant 0 : i32
      %dma_start3A_76 = tpu.memref_slice %arg8[%dma_start3A_74, %dma_start3A_75] : memref<125x128xf32, #tpu.memory_space<vmem>> -> memref<120x128xf32, #tpu.memory_space<vmem>>
      tpu.enqueue_dma source(%dma_start3A_76 : memref<120x128xf32, #tpu.memory_space<vmem>>) target(%dma_start3A_73 : memref<120x128xf32, #tpu.memory_space<vmem_shared>>) target_semaphore(%run_scoped3A : memref<!tpu.dma_semaphore, #tpu.memory_space<semaphore_mem>>)
      %dma_wait3A = arith.constant 0 : i32
      %dma_wait3A_77 = arith.constant 0 : i32
      %dma_wait3A_78 = tpu.memref_slice %arg8[%dma_wait3A, %dma_wait3A_77] : memref<125x128xf32, #tpu.memory_space<vmem>> -> memref<120x128xf32, #tpu.memory_space<vmem>>
      %dma_wait3A_79 = arith.constant 0 : i32
      %dma_wait3A_80 = tpu.memref_slice %arg10[%add3A_10, %dma_wait3A_79] : memref<10112x128xf32, #tpu.memory_space<vmem_shared>> -> memref<120x128xf32, #tpu.memory_space<vmem_shared>>
      %dma_wait3A_81 = arith.constant 0 : i32
      %dma_wait3A_82 = tpu.memref_slice %arg10[%add3A_10, %dma_wait3A_81] : memref<10112x128xf32, #tpu.memory_space<vmem_shared>> -> memref<120x128xf32, #tpu.memory_space<vmem_shared>>
      %dma_wait3A_83 = arith.constant 0 : i32
      %dma_wait3A_84 = arith.constant 0 : i32
      %dma_wait3A_85 = tpu.memref_slice %arg8[%dma_wait3A_83, %dma_wait3A_84] : memref<125x128xf32, #tpu.memory_space<vmem>> -> memref<120x128xf32, #tpu.memory_space<vmem>>
      tpu.wait_dma2 semaphore(%run_scoped3A : memref<!tpu.dma_semaphore, #tpu.memory_space<semaphore_mem>>) src(%dma_wait3A_85 : memref<120x128xf32, #tpu.memory_space<vmem>>) dst(%dma_wait3A_82 : memref<120x128xf32, #tpu.memory_space<vmem_shared>>)
      tpu.yield
    }) : () -> ()
    %add3A_11 = arith.constant 120 : i32
    %add3A_12 = arith.addi %multiple_of3A, %add3A_11 : i32
    "tpu.region"() ({
      %run_scoped3A = tpu.sem_alloc : memref<!tpu.dma_semaphore, #tpu.memory_space<semaphore_mem>>
      %dma_start3A_67 = arith.constant 0 : i32
      %dma_start3A_68 = arith.constant 0 : i32
      %dma_start3A_69 = tpu.memref_slice %arg8[%dma_start3A_67, %dma_start3A_68] : memref<125x128xf32, #tpu.memory_space<vmem>> -> memref<120x128xf32, #tpu.memory_space<vmem>>
      %dma_start3A_70 = arith.constant 0 : i32
      %dma_start3A_71 = tpu.memref_slice %arg10[%add3A_12, %dma_start3A_70] : memref<10112x128xf32, #tpu.memory_space<vmem_shared>> -> memref<120x128xf32, #tpu.memory_space<vmem_shared>>
      %dma_start3A_72 = arith.constant 0 : i32
      %dma_start3A_73 = tpu.memref_slice %arg10[%add3A_12, %dma_start3A_72] : memref<10112x128xf32, #tpu.memory_space<vmem_shared>> -> memref<120x128xf32, #tpu.memory_space<vmem_shared>>
      %dma_start3A_74 = arith.constant 0 : i32
      %dma_start3A_75 = arith.constant 0 : i32
      %dma_start3A_76 = tpu.memref_slice %arg8[%dma_start3A_74, %dma_start3A_75] : memref<125x128xf32, #tpu.memory_space<vmem>> -> memref<120x128xf32, #tpu.memory_space<vmem>>
      tpu.enqueue_dma source(%dma_start3A_76 : memref<120x128xf32, #tpu.memory_space<vmem>>) target(%dma_start3A_73 : memref<120x128xf32, #tpu.memory_space<vmem_shared>>) target_semaphore(%run_scoped3A : memref<!tpu.dma_semaphore, #tpu.memory_space<semaphore_mem>>)
      %dma_wait3A = arith.constant 0 : i32
      %dma_wait3A_77 = arith.constant 0 : i32
      %dma_wait3A_78 = tpu.memref_slice %arg8[%dma_wait3A, %dma_wait3A_77] : memref<125x128xf32, #tpu.memory_space<vmem>> -> memref<120x128xf32, #tpu.memory_space<vmem>>
      %dma_wait3A_79 = arith.constant 0 : i32
      %dma_wait3A_80 = tpu.memref_slice %arg10[%add3A_12, %dma_wait3A_79] : memref<10112x128xf32, #tpu.memory_space<vmem_shared>> -> memref<120x128xf32, #tpu.memory_space<vmem_shared>>
      %dma_wait3A_81 = arith.constant 0 : i32
      %dma_wait3A_82 = tpu.memref_slice %arg10[%add3A_12, %dma_wait3A_81] : memref<10112x128xf32, #tpu.memory_space<vmem_shared>> -> memref<120x128xf32, #tpu.memory_space<vmem_shared>>
      %dma_wait3A_83 = arith.constant 0 : i32
      %dma_wait3A_84 = arith.constant 0 : i32
      %dma_wait3A_85 = tpu.memref_slice %arg8[%dma_wait3A_83, %dma_wait3A_84] : memref<125x128xf32, #tpu.memory_space<vmem>> -> memref<120x128xf32, #tpu.memory_space<vmem>>
      tpu.wait_dma2 semaphore(%run_scoped3A : memref<!tpu.dma_semaphore, #tpu.memory_space<semaphore_mem>>) src(%dma_wait3A_85 : memref<120x128xf32, #tpu.memory_space<vmem>>) dst(%dma_wait3A_82 : memref<120x128xf32, #tpu.memory_space<vmem_shared>>)
      tpu.yield
    }) : () -> ()
    %add3A_13 = arith.constant 240 : i32
    %add3A_14 = arith.addi %multiple_of3A, %add3A_13 : i32
    "tpu.region"() ({
      %run_scoped3A = tpu.sem_alloc : memref<!tpu.dma_semaphore, #tpu.memory_space<semaphore_mem>>
      %dma_start3A_67 = arith.constant 0 : i32
      %dma_start3A_68 = arith.constant 0 : i32
      %dma_start3A_69 = tpu.memref_slice %arg8[%dma_start3A_67, %dma_start3A_68] : memref<125x128xf32, #tpu.memory_space<vmem>> -> memref<120x128xf32, #tpu.memory_space<vmem>>
      %dma_start3A_70 = arith.constant 0 : i32
      %dma_start3A_71 = tpu.memref_slice %arg10[%add3A_14, %dma_start3A_70] : memref<10112x128xf32, #tpu.memory_space<vmem_shared>> -> memref<120x128xf32, #tpu.memory_space<vmem_shared>>
      %dma_start3A_72 = arith.constant 0 : i32
      %dma_start3A_73 = tpu.memref_slice %arg10[%add3A_14, %dma_start3A_72] : memref<10112x128xf32, #tpu.memory_space<vmem_shared>> -> memref<120x128xf32, #tpu.memory_space<vmem_shared>>
      %dma_start3A_74 = arith.constant 0 : i32
      %dma_start3A_75 = arith.constant 0 : i32
      %dma_start3A_76 = tpu.memref_slice %arg8[%dma_start3A_74, %dma_start3A_75] : memref<125x128xf32, #tpu.memory_space<vmem>> -> memref<120x128xf32, #tpu.memory_space<vmem>>
      tpu.enqueue_dma source(%dma_start3A_76 : memref<120x128xf32, #tpu.memory_space<vmem>>) target(%dma_start3A_73 : memref<120x128xf32, #tpu.memory_space<vmem_shared>>) target_semaphore(%run_scoped3A : memref<!tpu.dma_semaphore, #tpu.memory_space<semaphore_mem>>)
      %dma_wait3A = arith.constant 0 : i32
      %dma_wait3A_77 = arith.constant 0 : i32
      %dma_wait3A_78 = tpu.memref_slice %arg8[%dma_wait3A, %dma_wait3A_77] : memref<125x128xf32, #tpu.memory_space<vmem>> -> memref<120x128xf32, #tpu.memory_space<vmem>>
      %dma_wait3A_79 = arith.constant 0 : i32
      %dma_wait3A_80 = tpu.memref_slice %arg10[%add3A_14, %dma_wait3A_79] : memref<10112x128xf32, #tpu.memory_space<vmem_shared>> -> memref<120x128xf32, #tpu.memory_space<vmem_shared>>
      %dma_wait3A_81 = arith.constant 0 : i32
      %dma_wait3A_82 = tpu.memref_slice %arg10[%add3A_14, %dma_wait3A_81] : memref<10112x128xf32, #tpu.memory_space<vmem_shared>> -> memref<120x128xf32, #tpu.memory_space<vmem_shared>>
      %dma_wait3A_83 = arith.constant 0 : i32
      %dma_wait3A_84 = arith.constant 0 : i32
      %dma_wait3A_85 = tpu.memref_slice %arg8[%dma_wait3A_83, %dma_wait3A_84] : memref<125x128xf32, #tpu.memory_space<vmem>> -> memref<120x128xf32, #tpu.memory_space<vmem>>
      tpu.wait_dma2 semaphore(%run_scoped3A : memref<!tpu.dma_semaphore, #tpu.memory_space<semaphore_mem>>) src(%dma_wait3A_85 : memref<120x128xf32, #tpu.memory_space<vmem>>) dst(%dma_wait3A_82 : memref<120x128xf32, #tpu.memory_space<vmem_shared>>)
      tpu.yield
    }) : () -> ()
    %add3A_15 = arith.constant 360 : i32
    %add3A_16 = arith.addi %multiple_of3A, %add3A_15 : i32
    "tpu.region"() ({
      %run_scoped3A = tpu.sem_alloc : memref<!tpu.dma_semaphore, #tpu.memory_space<semaphore_mem>>
      %dma_start3A_67 = arith.constant 0 : i32
      %dma_start3A_68 = arith.constant 0 : i32
      %dma_start3A_69 = tpu.memref_slice %arg8[%dma_start3A_67, %dma_start3A_68] : memref<125x128xf32, #tpu.memory_space<vmem>> -> memref<120x128xf32, #tpu.memory_space<vmem>>
      %dma_start3A_70 = arith.constant 0 : i32
      %dma_start3A_71 = tpu.memref_slice %arg10[%add3A_16, %dma_start3A_70] : memref<10112x128xf32, #tpu.memory_space<vmem_shared>> -> memref<120x128xf32, #tpu.memory_space<vmem_shared>>
      %dma_start3A_72 = arith.constant 0 : i32
      %dma_start3A_73 = tpu.memref_slice %arg10[%add3A_16, %dma_start3A_72] : memref<10112x128xf32, #tpu.memory_space<vmem_shared>> -> memref<120x128xf32, #tpu.memory_space<vmem_shared>>
      %dma_start3A_74 = arith.constant 0 : i32
      %dma_start3A_75 = arith.constant 0 : i32
      %dma_start3A_76 = tpu.memref_slice %arg8[%dma_start3A_74, %dma_start3A_75] : memref<125x128xf32, #tpu.memory_space<vmem>> -> memref<120x128xf32, #tpu.memory_space<vmem>>
      tpu.enqueue_dma source(%dma_start3A_76 : memref<120x128xf32, #tpu.memory_space<vmem>>) target(%dma_start3A_73 : memref<120x128xf32, #tpu.memory_space<vmem_shared>>) target_semaphore(%run_scoped3A : memref<!tpu.dma_semaphore, #tpu.memory_space<semaphore_mem>>)
      %dma_wait3A = arith.constant 0 : i32
      %dma_wait3A_77 = arith.constant 0 : i32
      %dma_wait3A_78 = tpu.memref_slice %arg8[%dma_wait3A, %dma_wait3A_77] : memref<125x128xf32, #tpu.memory_space<vmem>> -> memref<120x128xf32, #tpu.memory_space<vmem>>
      %dma_wait3A_79 = arith.constant 0 : i32
      %dma_wait3A_80 = tpu.memref_slice %arg10[%add3A_16, %dma_wait3A_79] : memref<10112x128xf32, #tpu.memory_space<vmem_shared>> -> memref<120x128xf32, #tpu.memory_space<vmem_shared>>
      %dma_wait3A_81 = arith.constant 0 : i32
      %dma_wait3A_82 = tpu.memref_slice %arg10[%add3A_16, %dma_wait3A_81] : memref<10112x128xf32, #tpu.memory_space<vmem_shared>> -> memref<120x128xf32, #tpu.memory_space<vmem_shared>>
      %dma_wait3A_83 = arith.constant 0 : i32
      %dma_wait3A_84 = arith.constant 0 : i32
      %dma_wait3A_85 = tpu.memref_slice %arg8[%dma_wait3A_83, %dma_wait3A_84] : memref<125x128xf32, #tpu.memory_space<vmem>> -> memref<120x128xf32, #tpu.memory_space<vmem>>
      tpu.wait_dma2 semaphore(%run_scoped3A : memref<!tpu.dma_semaphore, #tpu.memory_space<semaphore_mem>>) src(%dma_wait3A_85 : memref<120x128xf32, #tpu.memory_space<vmem>>) dst(%dma_wait3A_82 : memref<120x128xf32, #tpu.memory_space<vmem_shared>>)
      tpu.yield
    }) : () -> ()
    %add3A_17 = arith.constant 480 : i32
    %add3A_18 = arith.addi %multiple_of3A, %add3A_17 : i32
    "tpu.region"() ({
      %run_scoped3A = tpu.sem_alloc : memref<!tpu.dma_semaphore, #tpu.memory_space<semaphore_mem>>
      %dma_start3A_67 = arith.constant 0 : i32
      %dma_start3A_68 = arith.constant 0 : i32
      %dma_start3A_69 = tpu.memref_slice %arg8[%dma_start3A_67, %dma_start3A_68] : memref<125x128xf32, #tpu.memory_space<vmem>> -> memref<120x128xf32, #tpu.memory_space<vmem>>
      %dma_start3A_70 = arith.constant 0 : i32
      %dma_start3A_71 = tpu.memref_slice %arg10[%add3A_18, %dma_start3A_70] : memref<10112x128xf32, #tpu.memory_space<vmem_shared>> -> memref<120x128xf32, #tpu.memory_space<vmem_shared>>
      %dma_start3A_72 = arith.constant 0 : i32
      %dma_start3A_73 = tpu.memref_slice %arg10[%add3A_18, %dma_start3A_72] : memref<10112x128xf32, #tpu.memory_space<vmem_shared>> -> memref<120x128xf32, #tpu.memory_space<vmem_shared>>
      %dma_start3A_74 = arith.constant 0 : i32
      %dma_start3A_75 = arith.constant 0 : i32
      %dma_start3A_76 = tpu.memref_slice %arg8[%dma_start3A_74, %dma_start3A_75] : memref<125x128xf32, #tpu.memory_space<vmem>> -> memref<120x128xf32, #tpu.memory_space<vmem>>
      tpu.enqueue_dma source(%dma_start3A_76 : memref<120x128xf32, #tpu.memory_space<vmem>>) target(%dma_start3A_73 : memref<120x128xf32, #tpu.memory_space<vmem_shared>>) target_semaphore(%run_scoped3A : memref<!tpu.dma_semaphore, #tpu.memory_space<semaphore_mem>>)
      %dma_wait3A = arith.constant 0 : i32
      %dma_wait3A_77 = arith.constant 0 : i32
      %dma_wait3A_78 = tpu.memref_slice %arg8[%dma_wait3A, %dma_wait3A_77] : memref<125x128xf32, #tpu.memory_space<vmem>> -> memref<120x128xf32, #tpu.memory_space<vmem>>
      %dma_wait3A_79 = arith.constant 0 : i32
      %dma_wait3A_80 = tpu.memref_slice %arg10[%add3A_18, %dma_wait3A_79] : memref<10112x128xf32, #tpu.memory_space<vmem_shared>> -> memref<120x128xf32, #tpu.memory_space<vmem_shared>>
      %dma_wait3A_81 = arith.constant 0 : i32
      %dma_wait3A_82 = tpu.memref_slice %arg10[%add3A_18, %dma_wait3A_81] : memref<10112x128xf32, #tpu.memory_space<vmem_shared>> -> memref<120x128xf32, #tpu.memory_space<vmem_shared>>
      %dma_wait3A_83 = arith.constant 0 : i32
      %dma_wait3A_84 = arith.constant 0 : i32
      %dma_wait3A_85 = tpu.memref_slice %arg8[%dma_wait3A_83, %dma_wait3A_84] : memref<125x128xf32, #tpu.memory_space<vmem>> -> memref<120x128xf32, #tpu.memory_space<vmem>>
      tpu.wait_dma2 semaphore(%run_scoped3A : memref<!tpu.dma_semaphore, #tpu.memory_space<semaphore_mem>>) src(%dma_wait3A_85 : memref<120x128xf32, #tpu.memory_space<vmem>>) dst(%dma_wait3A_82 : memref<120x128xf32, #tpu.memory_space<vmem_shared>>)
      tpu.yield
    }) : () -> ()
    %add3A_19 = arith.constant 600 : i32
    %add3A_20 = arith.addi %multiple_of3A, %add3A_19 : i32
    "tpu.region"() ({
      %run_scoped3A = tpu.sem_alloc : memref<!tpu.dma_semaphore, #tpu.memory_space<semaphore_mem>>
      %dma_start3A_67 = arith.constant 0 : i32
      %dma_start3A_68 = arith.constant 0 : i32
      %dma_start3A_69 = tpu.memref_slice %arg8[%dma_start3A_67, %dma_start3A_68] : memref<125x128xf32, #tpu.memory_space<vmem>> -> memref<32x128xf32, #tpu.memory_space<vmem>>
      %dma_start3A_70 = arith.constant 0 : i32
      %dma_start3A_71 = tpu.memref_slice %arg10[%add3A_20, %dma_start3A_70] : memref<10112x128xf32, #tpu.memory_space<vmem_shared>> -> memref<32x128xf32, #tpu.memory_space<vmem_shared>>
      %dma_start3A_72 = arith.constant 0 : i32
      %dma_start3A_73 = tpu.memref_slice %arg10[%add3A_20, %dma_start3A_72] : memref<10112x128xf32, #tpu.memory_space<vmem_shared>> -> memref<32x128xf32, #tpu.memory_space<vmem_shared>>
      %dma_start3A_74 = arith.constant 0 : i32
      %dma_start3A_75 = arith.constant 0 : i32
      %dma_start3A_76 = tpu.memref_slice %arg8[%dma_start3A_74, %dma_start3A_75] : memref<125x128xf32, #tpu.memory_space<vmem>> -> memref<32x128xf32, #tpu.memory_space<vmem>>
      tpu.enqueue_dma source(%dma_start3A_76 : memref<32x128xf32, #tpu.memory_space<vmem>>) target(%dma_start3A_73 : memref<32x128xf32, #tpu.memory_space<vmem_shared>>) target_semaphore(%run_scoped3A : memref<!tpu.dma_semaphore, #tpu.memory_space<semaphore_mem>>)
      %dma_wait3A = arith.constant 0 : i32
      %dma_wait3A_77 = arith.constant 0 : i32
      %dma_wait3A_78 = tpu.memref_slice %arg8[%dma_wait3A, %dma_wait3A_77] : memref<125x128xf32, #tpu.memory_space<vmem>> -> memref<32x128xf32, #tpu.memory_space<vmem>>
      %dma_wait3A_79 = arith.constant 0 : i32
      %dma_wait3A_80 = tpu.memref_slice %arg10[%add3A_20, %dma_wait3A_79] : memref<10112x128xf32, #tpu.memory_space<vmem_shared>> -> memref<32x128xf32, #tpu.memory_space<vmem_shared>>
      %dma_wait3A_81 = arith.constant 0 : i32
      %dma_wait3A_82 = tpu.memref_slice %arg10[%add3A_20, %dma_wait3A_81] : memref<10112x128xf32, #tpu.memory_space<vmem_shared>> -> memref<32x128xf32, #tpu.memory_space<vmem_shared>>
      %dma_wait3A_83 = arith.constant 0 : i32
      %dma_wait3A_84 = arith.constant 0 : i32
      %dma_wait3A_85 = tpu.memref_slice %arg8[%dma_wait3A_83, %dma_wait3A_84] : memref<125x128xf32, #tpu.memory_space<vmem>> -> memref<32x128xf32, #tpu.memory_space<vmem>>
      tpu.wait_dma2 semaphore(%run_scoped3A : memref<!tpu.dma_semaphore, #tpu.memory_space<semaphore_mem>>) src(%dma_wait3A_85 : memref<32x128xf32, #tpu.memory_space<vmem>>) dst(%dma_wait3A_82 : memref<32x128xf32, #tpu.memory_space<vmem_shared>>)
      tpu.yield
    }) : () -> ()
    %barrier3A = arith.constant 0 : index
    tpu.barrier barrier_id(%barrier3A)
    "tpu.region"() ({
      %run_scoped3A = tpu.sem_alloc : memref<!tpu.dma_semaphore, #tpu.memory_space<semaphore_mem>>
      %dma_start3A_67 = arith.constant 0 : i32
      %dma_start3A_68 = arith.constant 0 : i32
      %dma_start3A_69 = tpu.memref_slice %arg3[%add3A, %dma_start3A_67, %dma_start3A_68] : memref<32x80x125xi32, #tpu.memory_space<hbm>> -> memref<1x40x125xi32, #tpu.memory_space<hbm>>
      %dma_start3A_70 = tpu.memref_squeeze %dma_start3A_69 : memref<1x40x125xi32, #tpu.memory_space<hbm>> -> memref<40x125xi32, #tpu.memory_space<hbm>>
      %dma_start3A_71 = arith.constant 0 : i32
      %dma_start3A_72 = arith.constant 0 : i32
      %dma_start3A_73 = tpu.memref_slice %arg3[%add3A, %dma_start3A_71, %dma_start3A_72] : memref<32x80x125xi32, #tpu.memory_space<hbm>> -> memref<1x40x125xi32, #tpu.memory_space<hbm>>
      %dma_start3A_74 = tpu.memref_squeeze %dma_start3A_73 : memref<1x40x125xi32, #tpu.memory_space<hbm>> -> memref<40x125xi32, #tpu.memory_space<hbm>>
      tpu.enqueue_dma source(%dma_start3A_74 : memref<40x125xi32, #tpu.memory_space<hbm>>) target(%arg6 : memref<40x125xi32, #tpu.memory_space<vmem>>) target_semaphore(%run_scoped3A : memref<!tpu.dma_semaphore, #tpu.memory_space<semaphore_mem>>)
      %dma_wait3A = arith.constant 0 : i32
      %dma_wait3A_75 = arith.constant 0 : i32
      %dma_wait3A_76 = tpu.memref_slice %arg3[%add3A, %dma_wait3A, %dma_wait3A_75] : memref<32x80x125xi32, #tpu.memory_space<hbm>> -> memref<1x40x125xi32, #tpu.memory_space<hbm>>
      %dma_wait3A_77 = tpu.memref_squeeze %dma_wait3A_76 : memref<1x40x125xi32, #tpu.memory_space<hbm>> -> memref<40x125xi32, #tpu.memory_space<hbm>>
      %dma_wait3A_78 = arith.constant 0 : i32
      %dma_wait3A_79 = arith.constant 0 : i32
      %dma_wait3A_80 = tpu.memref_slice %arg3[%add3A, %dma_wait3A_78, %dma_wait3A_79] : memref<32x80x125xi32, #tpu.memory_space<hbm>> -> memref<1x40x125xi32, #tpu.memory_space<hbm>>
      %dma_wait3A_81 = tpu.memref_squeeze %dma_wait3A_80 : memref<1x40x125xi32, #tpu.memory_space<hbm>> -> memref<40x125xi32, #tpu.memory_space<hbm>>
      tpu.wait_dma2 semaphore(%run_scoped3A : memref<!tpu.dma_semaphore, #tpu.memory_space<semaphore_mem>>) src(%dma_wait3A_81 : memref<40x125xi32, #tpu.memory_space<hbm>>) dst(%arg6 : memref<40x125xi32, #tpu.memory_space<vmem>>)
      tpu.yield
    }) : () -> ()
    "tpu.region"() ({
      %run_scoped3A = tpu.sem_alloc : memref<!tpu.dma_semaphore, #tpu.memory_space<semaphore_mem>>
      %dma_start3A_67 = arith.constant 0 : i32
      %dma_start3A_68 = arith.constant 0 : i32
      %dma_start3A_69 = tpu.memref_slice %arg4[%add3A, %dma_start3A_67, %dma_start3A_68] : memref<32x80x125xi32, #tpu.memory_space<hbm>> -> memref<1x40x125xi32, #tpu.memory_space<hbm>>
      %dma_start3A_70 = tpu.memref_squeeze %dma_start3A_69 : memref<1x40x125xi32, #tpu.memory_space<hbm>> -> memref<40x125xi32, #tpu.memory_space<hbm>>
      %dma_start3A_71 = arith.constant 0 : i32
      %dma_start3A_72 = arith.constant 0 : i32
      %dma_start3A_73 = tpu.memref_slice %arg4[%add3A, %dma_start3A_71, %dma_start3A_72] : memref<32x80x125xi32, #tpu.memory_space<hbm>> -> memref<1x40x125xi32, #tpu.memory_space<hbm>>
      %dma_start3A_74 = tpu.memref_squeeze %dma_start3A_73 : memref<1x40x125xi32, #tpu.memory_space<hbm>> -> memref<40x125xi32, #tpu.memory_space<hbm>>
      tpu.enqueue_dma source(%dma_start3A_74 : memref<40x125xi32, #tpu.memory_space<hbm>>) target(%arg7 : memref<40x125xi32, #tpu.memory_space<vmem>>) target_semaphore(%run_scoped3A : memref<!tpu.dma_semaphore, #tpu.memory_space<semaphore_mem>>)
      %dma_wait3A = arith.constant 0 : i32
      %dma_wait3A_75 = arith.constant 0 : i32
      %dma_wait3A_76 = tpu.memref_slice %arg4[%add3A, %dma_wait3A, %dma_wait3A_75] : memref<32x80x125xi32, #tpu.memory_space<hbm>> -> memref<1x40x125xi32, #tpu.memory_space<hbm>>
      %dma_wait3A_77 = tpu.memref_squeeze %dma_wait3A_76 : memref<1x40x125xi32, #tpu.memory_space<hbm>> -> memref<40x125xi32, #tpu.memory_space<hbm>>
      %dma_wait3A_78 = arith.constant 0 : i32
      %dma_wait3A_79 = arith.constant 0 : i32
      %dma_wait3A_80 = tpu.memref_slice %arg4[%add3A, %dma_wait3A_78, %dma_wait3A_79] : memref<32x80x125xi32, #tpu.memory_space<hbm>> -> memref<1x40x125xi32, #tpu.memory_space<hbm>>
      %dma_wait3A_81 = tpu.memref_squeeze %dma_wait3A_80 : memref<1x40x125xi32, #tpu.memory_space<hbm>> -> memref<40x125xi32, #tpu.memory_space<hbm>>
      tpu.wait_dma2 semaphore(%run_scoped3A : memref<!tpu.dma_semaphore, #tpu.memory_space<semaphore_mem>>) src(%dma_wait3A_81 : memref<40x125xi32, #tpu.memory_space<hbm>>) dst(%arg7 : memref<40x125xi32, #tpu.memory_space<vmem>>)
      tpu.yield
    }) : () -> ()
    %dma_start3A = arith.constant 0 : i32
    %dma_start3A_21 = arith.constant 0 : i32
    %dma_start3A_22 = tpu.memref_slice %arg6[%dma_start3A, %dma_start3A_21] : memref<40x125xi32, #tpu.memory_space<vmem>> -> memref<1x125xi32, #tpu.memory_space<vmem>>
    %dma_start3A_23 = tpu.memref_squeeze %dma_start3A_22 : memref<1x125xi32, #tpu.memory_space<vmem>> -> memref<125xi32, #tpu.memory_space<vmem>>
    %dma_start3A_24 = arith.constant 0 : i32
    %dma_start3A_25 = arith.constant 0 : i32
    %dma_start3A_26 = tpu.memref_slice %arg2[%dma_start3A_24, %dma_start3A_25] : memref<10000x128xf32, #tpu.memory_space<hbm>> -> memref<10000x128xf32, #tpu.memory_space<hbm>>
    tpu.enqueue_indirect_dma source(%dma_start3A_26 : memref<10000x128xf32, #tpu.memory_space<hbm>>) target(%arg8 : memref<125x128xf32, #tpu.memory_space<vmem>>) offsets(%dma_start3A_23 : memref<125xi32, #tpu.memory_space<vmem>>) semaphore(%arg11 : memref<!tpu.dma_semaphore, #tpu.memory_space<semaphore_mem>>)
    %dma_start3A_27 = arith.constant 1 : i32
    %dma_start3A_28 = arith.constant 0 : i32
    %dma_start3A_29 = tpu.memref_slice %arg6[%dma_start3A_27, %dma_start3A_28] : memref<40x125xi32, #tpu.memory_space<vmem>> -> memref<1x125xi32, #tpu.memory_space<vmem>>
    %dma_start3A_30 = tpu.memref_squeeze %dma_start3A_29 : memref<1x125xi32, #tpu.memory_space<vmem>> -> memref<125xi32, #tpu.memory_space<vmem>>
    %dma_start3A_31 = arith.constant 0 : i32
    %dma_start3A_32 = arith.constant 0 : i32
    %dma_start3A_33 = tpu.memref_slice %arg2[%dma_start3A_31, %dma_start3A_32] : memref<10000x128xf32, #tpu.memory_space<hbm>> -> memref<10000x128xf32, #tpu.memory_space<hbm>>
    tpu.enqueue_indirect_dma source(%dma_start3A_33 : memref<10000x128xf32, #tpu.memory_space<hbm>>) target(%arg9 : memref<125x128xf32, #tpu.memory_space<vmem>>) offsets(%dma_start3A_30 : memref<125xi32, #tpu.memory_space<vmem>>) semaphore(%arg12 : memref<!tpu.dma_semaphore, #tpu.memory_space<semaphore_mem>>)
    %scan3A_34 = arith.constant 0 : i32
    %scan3A_35 = arith.constant 0 : i32
    %scan3A_36 = arith.constant 20 : i32
    %scan3A_37 = arith.addi %scan3A_35, %scan3A_36 : i32
    %scan3A_38 = arith.constant 1 : i32
    scf.for %scan3A_67 = %scan3A_35 to %scan3A_37 step %scan3A_38  : i32 {
      %mul3A_68 = arith.constant 2 : i32
      %mul3A_69 = arith.muli %mul3A_68, %scan3A_67 : i32
      %add3A_70 = arith.constant 0 : i32
      %add3A_71 = arith.addi %mul3A_69, %add3A_70 : i32
      %dma_wait3A = arith.constant 0 : i32
      %dma_wait3A_72 = tpu.memref_slice %arg6[%add3A_71, %dma_wait3A] : memref<40x125xi32, #tpu.memory_space<vmem>> -> memref<1x125xi32, #tpu.memory_space<vmem>>
      %dma_wait3A_73 = tpu.memref_squeeze %dma_wait3A_72 : memref<1x125xi32, #tpu.memory_space<vmem>> -> memref<125xi32, #tpu.memory_space<vmem>>
      %dma_wait3A_74 = arith.constant 0 : i32
      %dma_wait3A_75 = arith.constant 0 : i32
      %dma_wait3A_76 = tpu.memref_slice %arg2[%dma_wait3A_74, %dma_wait3A_75] : memref<10000x128xf32, #tpu.memory_space<hbm>> -> memref<10000x128xf32, #tpu.memory_space<hbm>>
      tpu.wait_indirect_dma semaphore(%arg11 : memref<!tpu.dma_semaphore, #tpu.memory_space<semaphore_mem>>) src(%dma_wait3A_76 : memref<10000x128xf32, #tpu.memory_space<hbm>>) dst(%arg8 : memref<125x128xf32, #tpu.memory_space<vmem>>)
      "tpu.region"() ({
        %run_scoped3A = tpu.sem_alloc : memref<!tpu.dma_semaphore, #tpu.memory_space<semaphore_mem>>
        %dma_start3A_99 = arith.constant 0 : i32
        %dma_start3A_100 = tpu.memref_slice %arg7[%add3A_71, %dma_start3A_99] : memref<40x125xi32, #tpu.memory_space<vmem>> -> memref<1x125xi32, #tpu.memory_space<vmem>>
        %dma_start3A_101 = tpu.memref_squeeze %dma_start3A_100 : memref<1x125xi32, #tpu.memory_space<vmem>> -> memref<125xi32, #tpu.memory_space<vmem>>
        %dma_start3A_102 = arith.constant 0 : i32
        %dma_start3A_103 = arith.constant 0 : i32
        %dma_start3A_104 = tpu.memref_slice %arg10[%dma_start3A_102, %dma_start3A_103] : memref<10112x128xf32, #tpu.memory_space<vmem_shared>> -> memref<10112x128xf32, #tpu.memory_space<vmem_shared>>
        tpu.enqueue_indirect_dma source(%arg8 : memref<125x128xf32, #tpu.memory_space<vmem>>) target(%dma_start3A_104 : memref<10112x128xf32, #tpu.memory_space<vmem_shared>>) offsets(%dma_start3A_101 : memref<125xi32, #tpu.memory_space<vmem>>) semaphore(%run_scoped3A : memref<!tpu.dma_semaphore, #tpu.memory_space<semaphore_mem>>) {add = true}
        %dma_wait3A_105 = arith.constant 0 : i32
        %dma_wait3A_106 = tpu.memref_slice %arg7[%add3A_71, %dma_wait3A_105] : memref<40x125xi32, #tpu.memory_space<vmem>> -> memref<1x125xi32, #tpu.memory_space<vmem>>
        %dma_wait3A_107 = tpu.memref_squeeze %dma_wait3A_106 : memref<1x125xi32, #tpu.memory_space<vmem>> -> memref<125xi32, #tpu.memory_space<vmem>>
        %dma_wait3A_108 = arith.constant 0 : i32
        %dma_wait3A_109 = arith.constant 0 : i32
        %dma_wait3A_110 = tpu.memref_slice %arg10[%dma_wait3A_108, %dma_wait3A_109] : memref<10112x128xf32, #tpu.memory_space<vmem_shared>> -> memref<10112x128xf32, #tpu.memory_space<vmem_shared>>
        tpu.wait_indirect_dma semaphore(%run_scoped3A : memref<!tpu.dma_semaphore, #tpu.memory_space<semaphore_mem>>) src(%arg8 : memref<125x128xf32, #tpu.memory_space<vmem>>) dst(%dma_wait3A_110 : memref<10112x128xf32, #tpu.memory_space<vmem_shared>>)
        tpu.yield
      }) : () -> ()
      %add3A_77 = arith.constant 2 : i32
      %add3A_78 = arith.addi %add3A_71, %add3A_77 : i32
      %lt3A_79 = arith.constant 40 : i32
      %lt3A_80 = arith.cmpi slt, %add3A_78, %lt3A_79 : i32
      %convert_element_type3A_81 = arith.extui %lt3A_80 : i1 to i32
      %cond3A_82 = arith.constant 0 : i32
      %cond3A_83 = arith.cmpi ne, %convert_element_type3A_81, %cond3A_82 : i32
      scf.if %cond3A_83 {
        %add3A_99 = arith.constant 2 : i32
        %add3A_100 = arith.addi %add3A_71, %add3A_99 : i32
        %dma_start3A_101 = arith.constant 0 : i32
        %dma_start3A_102 = tpu.memref_slice %arg6[%add3A_100, %dma_start3A_101] : memref<40x125xi32, #tpu.memory_space<vmem>> -> memref<1x125xi32, #tpu.memory_space<vmem>>
        %dma_start3A_103 = tpu.memref_squeeze %dma_start3A_102 : memref<1x125xi32, #tpu.memory_space<vmem>> -> memref<125xi32, #tpu.memory_space<vmem>>
        %dma_start3A_104 = arith.constant 0 : i32
        %dma_start3A_105 = arith.constant 0 : i32
        %dma_start3A_106 = tpu.memref_slice %arg2[%dma_start3A_104, %dma_start3A_105] : memref<10000x128xf32, #tpu.memory_space<hbm>> -> memref<10000x128xf32, #tpu.memory_space<hbm>>
        tpu.enqueue_indirect_dma source(%dma_start3A_106 : memref<10000x128xf32, #tpu.memory_space<hbm>>) target(%arg8 : memref<125x128xf32, #tpu.memory_space<vmem>>) offsets(%dma_start3A_103 : memref<125xi32, #tpu.memory_space<vmem>>) semaphore(%arg11 : memref<!tpu.dma_semaphore, #tpu.memory_space<semaphore_mem>>)
      } else {
      }
      %add3A_84 = arith.constant 1 : i32
      %add3A_85 = arith.addi %mul3A_69, %add3A_84 : i32
      %dma_wait3A_86 = arith.constant 0 : i32
      %dma_wait3A_87 = tpu.memref_slice %arg6[%add3A_85, %dma_wait3A_86] : memref<40x125xi32, #tpu.memory_space<vmem>> -> memref<1x125xi32, #tpu.memory_space<vmem>>
      %dma_wait3A_88 = tpu.memref_squeeze %dma_wait3A_87 : memref<1x125xi32, #tpu.memory_space<vmem>> -> memref<125xi32, #tpu.memory_space<vmem>>
      %dma_wait3A_89 = arith.constant 0 : i32
      %dma_wait3A_90 = arith.constant 0 : i32
      %dma_wait3A_91 = tpu.memref_slice %arg2[%dma_wait3A_89, %dma_wait3A_90] : memref<10000x128xf32, #tpu.memory_space<hbm>> -> memref<10000x128xf32, #tpu.memory_space<hbm>>
      tpu.wait_indirect_dma semaphore(%arg12 : memref<!tpu.dma_semaphore, #tpu.memory_space<semaphore_mem>>) src(%dma_wait3A_91 : memref<10000x128xf32, #tpu.memory_space<hbm>>) dst(%arg9 : memref<125x128xf32, #tpu.memory_space<vmem>>)
      "tpu.region"() ({
        %run_scoped3A = tpu.sem_alloc : memref<!tpu.dma_semaphore, #tpu.memory_space<semaphore_mem>>
        %dma_start3A_99 = arith.constant 0 : i32
        %dma_start3A_100 = tpu.memref_slice %arg7[%add3A_85, %dma_start3A_99] : memref<40x125xi32, #tpu.memory_space<vmem>> -> memref<1x125xi32, #tpu.memory_space<vmem>>
        %dma_start3A_101 = tpu.memref_squeeze %dma_start3A_100 : memref<1x125xi32, #tpu.memory_space<vmem>> -> memref<125xi32, #tpu.memory_space<vmem>>
        %dma_start3A_102 = arith.constant 0 : i32
        %dma_start3A_103 = arith.constant 0 : i32
        %dma_start3A_104 = tpu.memref_slice %arg10[%dma_start3A_102, %dma_start3A_103] : memref<10112x128xf32, #tpu.memory_space<vmem_shared>> -> memref<10112x128xf32, #tpu.memory_space<vmem_shared>>
        tpu.enqueue_indirect_dma source(%arg9 : memref<125x128xf32, #tpu.memory_space<vmem>>) target(%dma_start3A_104 : memref<10112x128xf32, #tpu.memory_space<vmem_shared>>) offsets(%dma_start3A_101 : memref<125xi32, #tpu.memory_space<vmem>>) semaphore(%run_scoped3A : memref<!tpu.dma_semaphore, #tpu.memory_space<semaphore_mem>>) {add = true}
        %dma_wait3A_105 = arith.constant 0 : i32
        %dma_wait3A_106 = tpu.memref_slice %arg7[%add3A_85, %dma_wait3A_105] : memref<40x125xi32, #tpu.memory_space<vmem>> -> memref<1x125xi32, #tpu.memory_space<vmem>>
        %dma_wait3A_107 = tpu.memref_squeeze %dma_wait3A_106 : memref<1x125xi32, #tpu.memory_space<vmem>> -> memref<125xi32, #tpu.memory_space<vmem>>
        %dma_wait3A_108 = arith.constant 0 : i32
        %dma_wait3A_109 = arith.constant 0 : i32
        %dma_wait3A_110 = tpu.memref_slice %arg10[%dma_wait3A_108, %dma_wait3A_109] : memref<10112x128xf32, #tpu.memory_space<vmem_shared>> -> memref<10112x128xf32, #tpu.memory_space<vmem_shared>>
        tpu.wait_indirect_dma semaphore(%run_scoped3A : memref<!tpu.dma_semaphore, #tpu.memory_space<semaphore_mem>>) src(%arg9 : memref<125x128xf32, #tpu.memory_space<vmem>>) dst(%dma_wait3A_110 : memref<10112x128xf32, #tpu.memory_space<vmem_shared>>)
        tpu.yield
      }) : () -> ()
      %add3A_92 = arith.constant 2 : i32
      %add3A_93 = arith.addi %add3A_85, %add3A_92 : i32
      %lt3A_94 = arith.constant 40 : i32
      %lt3A_95 = arith.cmpi slt, %add3A_93, %lt3A_94 : i32
      %convert_element_type3A_96 = arith.extui %lt3A_95 : i1 to i32
      %cond3A_97 = arith.constant 0 : i32
      %cond3A_98 = arith.cmpi ne, %convert_element_type3A_96, %cond3A_97 : i32
      scf.if %cond3A_98 {
        %add3A_99 = arith.constant 2 : i32
        %add3A_100 = arith.addi %add3A_85, %add3A_99 : i32
        %dma_start3A_101 = arith.constant 0 : i32
        %dma_start3A_102 = tpu.memref_slice %arg6[%add3A_100, %dma_start3A_101] : memref<40x125xi32, #tpu.memory_space<vmem>> -> memref<1x125xi32, #tpu.memory_space<vmem>>
        %dma_start3A_103 = tpu.memref_squeeze %dma_start3A_102 : memref<1x125xi32, #tpu.memory_space<vmem>> -> memref<125xi32, #tpu.memory_space<vmem>>
        %dma_start3A_104 = arith.constant 0 : i32
        %dma_start3A_105 = arith.constant 0 : i32
        %dma_start3A_106 = tpu.memref_slice %arg2[%dma_start3A_104, %dma_start3A_105] : memref<10000x128xf32, #tpu.memory_space<hbm>> -> memref<10000x128xf32, #tpu.memory_space<hbm>>
        tpu.enqueue_indirect_dma source(%dma_start3A_106 : memref<10000x128xf32, #tpu.memory_space<hbm>>) target(%arg9 : memref<125x128xf32, #tpu.memory_space<vmem>>) offsets(%dma_start3A_103 : memref<125xi32, #tpu.memory_space<vmem>>) semaphore(%arg12 : memref<!tpu.dma_semaphore, #tpu.memory_space<semaphore_mem>>)
      } else {
      }
    }
    %scan3A_39 = arith.constant 20 : i32
    "tpu.region"() ({
      %run_scoped3A = tpu.sem_alloc : memref<!tpu.dma_semaphore, #tpu.memory_space<semaphore_mem>>
      %dma_start3A_67 = arith.constant 40 : i32
      %dma_start3A_68 = arith.constant 0 : i32
      %dma_start3A_69 = tpu.memref_slice %arg3[%add3A, %dma_start3A_67, %dma_start3A_68] : memref<32x80x125xi32, #tpu.memory_space<hbm>> -> memref<1x40x125xi32, #tpu.memory_space<hbm>>
      %dma_start3A_70 = tpu.memref_squeeze %dma_start3A_69 : memref<1x40x125xi32, #tpu.memory_space<hbm>> -> memref<40x125xi32, #tpu.memory_space<hbm>>
      %dma_start3A_71 = arith.constant 40 : i32
      %dma_start3A_72 = arith.constant 0 : i32
      %dma_start3A_73 = tpu.memref_slice %arg3[%add3A, %dma_start3A_71, %dma_start3A_72] : memref<32x80x125xi32, #tpu.memory_space<hbm>> -> memref<1x40x125xi32, #tpu.memory_space<hbm>>
      %dma_start3A_74 = tpu.memref_squeeze %dma_start3A_73 : memref<1x40x125xi32, #tpu.memory_space<hbm>> -> memref<40x125xi32, #tpu.memory_space<hbm>>
      tpu.enqueue_dma source(%dma_start3A_74 : memref<40x125xi32, #tpu.memory_space<hbm>>) target(%arg6 : memref<40x125xi32, #tpu.memory_space<vmem>>) target_semaphore(%run_scoped3A : memref<!tpu.dma_semaphore, #tpu.memory_space<semaphore_mem>>)
      %dma_wait3A = arith.constant 40 : i32
      %dma_wait3A_75 = arith.constant 0 : i32
      %dma_wait3A_76 = tpu.memref_slice %arg3[%add3A, %dma_wait3A, %dma_wait3A_75] : memref<32x80x125xi32, #tpu.memory_space<hbm>> -> memref<1x40x125xi32, #tpu.memory_space<hbm>>
      %dma_wait3A_77 = tpu.memref_squeeze %dma_wait3A_76 : memref<1x40x125xi32, #tpu.memory_space<hbm>> -> memref<40x125xi32, #tpu.memory_space<hbm>>
      %dma_wait3A_78 = arith.constant 40 : i32
      %dma_wait3A_79 = arith.constant 0 : i32
      %dma_wait3A_80 = tpu.memref_slice %arg3[%add3A, %dma_wait3A_78, %dma_wait3A_79] : memref<32x80x125xi32, #tpu.memory_space<hbm>> -> memref<1x40x125xi32, #tpu.memory_space<hbm>>
      %dma_wait3A_81 = tpu.memref_squeeze %dma_wait3A_80 : memref<1x40x125xi32, #tpu.memory_space<hbm>> -> memref<40x125xi32, #tpu.memory_space<hbm>>
      tpu.wait_dma2 semaphore(%run_scoped3A : memref<!tpu.dma_semaphore, #tpu.memory_space<semaphore_mem>>) src(%dma_wait3A_81 : memref<40x125xi32, #tpu.memory_space<hbm>>) dst(%arg6 : memref<40x125xi32, #tpu.memory_space<vmem>>)
      tpu.yield
    }) : () -> ()
    "tpu.region"() ({
      %run_scoped3A = tpu.sem_alloc : memref<!tpu.dma_semaphore, #tpu.memory_space<semaphore_mem>>
      %dma_start3A_67 = arith.constant 40 : i32
      %dma_start3A_68 = arith.constant 0 : i32
      %dma_start3A_69 = tpu.memref_slice %arg4[%add3A, %dma_start3A_67, %dma_start3A_68] : memref<32x80x125xi32, #tpu.memory_space<hbm>> -> memref<1x40x125xi32, #tpu.memory_space<hbm>>
      %dma_start3A_70 = tpu.memref_squeeze %dma_start3A_69 : memref<1x40x125xi32, #tpu.memory_space<hbm>> -> memref<40x125xi32, #tpu.memory_space<hbm>>
      %dma_start3A_71 = arith.constant 40 : i32
      %dma_start3A_72 = arith.constant 0 : i32
      %dma_start3A_73 = tpu.memref_slice %arg4[%add3A, %dma_start3A_71, %dma_start3A_72] : memref<32x80x125xi32, #tpu.memory_space<hbm>> -> memref<1x40x125xi32, #tpu.memory_space<hbm>>
      %dma_start3A_74 = tpu.memref_squeeze %dma_start3A_73 : memref<1x40x125xi32, #tpu.memory_space<hbm>> -> memref<40x125xi32, #tpu.memory_space<hbm>>
      tpu.enqueue_dma source(%dma_start3A_74 : memref<40x125xi32, #tpu.memory_space<hbm>>) target(%arg7 : memref<40x125xi32, #tpu.memory_space<vmem>>) target_semaphore(%run_scoped3A : memref<!tpu.dma_semaphore, #tpu.memory_space<semaphore_mem>>)
      %dma_wait3A = arith.constant 40 : i32
      %dma_wait3A_75 = arith.constant 0 : i32
      %dma_wait3A_76 = tpu.memref_slice %arg4[%add3A, %dma_wait3A, %dma_wait3A_75] : memref<32x80x125xi32, #tpu.memory_space<hbm>> -> memref<1x40x125xi32, #tpu.memory_space<hbm>>
      %dma_wait3A_77 = tpu.memref_squeeze %dma_wait3A_76 : memref<1x40x125xi32, #tpu.memory_space<hbm>> -> memref<40x125xi32, #tpu.memory_space<hbm>>
      %dma_wait3A_78 = arith.constant 40 : i32
      %dma_wait3A_79 = arith.constant 0 : i32
      %dma_wait3A_80 = tpu.memref_slice %arg4[%add3A, %dma_wait3A_78, %dma_wait3A_79] : memref<32x80x125xi32, #tpu.memory_space<hbm>> -> memref<1x40x125xi32, #tpu.memory_space<hbm>>
      %dma_wait3A_81 = tpu.memref_squeeze %dma_wait3A_80 : memref<1x40x125xi32, #tpu.memory_space<hbm>> -> memref<40x125xi32, #tpu.memory_space<hbm>>
      tpu.wait_dma2 semaphore(%run_scoped3A : memref<!tpu.dma_semaphore, #tpu.memory_space<semaphore_mem>>) src(%dma_wait3A_81 : memref<40x125xi32, #tpu.memory_space<hbm>>) dst(%arg7 : memref<40x125xi32, #tpu.memory_space<vmem>>)
      tpu.yield
    }) : () -> ()
    %dma_start3A_40 = arith.constant 0 : i32
    %dma_start3A_41 = arith.constant 0 : i32
    %dma_start3A_42 = tpu.memref_slice %arg6[%dma_start3A_40, %dma_start3A_41] : memref<40x125xi32, #tpu.memory_space<vmem>> -> memref<1x125xi32, #tpu.memory_space<vmem>>
    %dma_start3A_43 = tpu.memref_squeeze %dma_start3A_42 : memref<1x125xi32, #tpu.memory_space<vmem>> -> memref<125xi32, #tpu.memory_space<vmem>>
    %dma_start3A_44 = arith.constant 0 : i32
    %dma_start3A_45 = arith.constant 0 : i32
    %dma_start3A_46 = tpu.memref_slice %arg2[%dma_start3A_44, %dma_start3A_45] : memref<10000x128xf32, #tpu.memory_space<hbm>> -> memref<10000x128xf32, #tpu.memory_space<hbm>>
    tpu.enqueue_indirect_dma source(%dma_start3A_46 : memref<10000x128xf32, #tpu.memory_space<hbm>>) target(%arg8 : memref<125x128xf32, #tpu.memory_space<vmem>>) offsets(%dma_start3A_43 : memref<125xi32, #tpu.memory_space<vmem>>) semaphore(%arg11 : memref<!tpu.dma_semaphore, #tpu.memory_space<semaphore_mem>>)
    %dma_start3A_47 = arith.constant 1 : i32
    %dma_start3A_48 = arith.constant 0 : i32
    %dma_start3A_49 = tpu.memref_slice %arg6[%dma_start3A_47, %dma_start3A_48] : memref<40x125xi32, #tpu.memory_space<vmem>> -> memref<1x125xi32, #tpu.memory_space<vmem>>
    %dma_start3A_50 = tpu.memref_squeeze %dma_start3A_49 : memref<1x125xi32, #tpu.memory_space<vmem>> -> memref<125xi32, #tpu.memory_space<vmem>>
    %dma_start3A_51 = arith.constant 0 : i32
    %dma_start3A_52 = arith.constant 0 : i32
    %dma_start3A_53 = tpu.memref_slice %arg2[%dma_start3A_51, %dma_start3A_52] : memref<10000x128xf32, #tpu.memory_space<hbm>> -> memref<10000x128xf32, #tpu.memory_space<hbm>>
    tpu.enqueue_indirect_dma source(%dma_start3A_53 : memref<10000x128xf32, #tpu.memory_space<hbm>>) target(%arg9 : memref<125x128xf32, #tpu.memory_space<vmem>>) offsets(%dma_start3A_50 : memref<125xi32, #tpu.memory_space<vmem>>) semaphore(%arg12 : memref<!tpu.dma_semaphore, #tpu.memory_space<semaphore_mem>>)
    %scan3A_54 = arith.constant 0 : i32
    %scan3A_55 = arith.constant 0 : i32
    %scan3A_56 = arith.constant 20 : i32
    %scan3A_57 = arith.addi %scan3A_55, %scan3A_56 : i32
    %scan3A_58 = arith.constant 1 : i32
    scf.for %scan3A_67 = %scan3A_55 to %scan3A_57 step %scan3A_58  : i32 {
      %mul3A_68 = arith.constant 2 : i32
      %mul3A_69 = arith.muli %mul3A_68, %scan3A_67 : i32
      %add3A_70 = arith.constant 0 : i32
      %add3A_71 = arith.addi %mul3A_69, %add3A_70 : i32
      %dma_wait3A = arith.constant 0 : i32
      %dma_wait3A_72 = tpu.memref_slice %arg6[%add3A_71, %dma_wait3A] : memref<40x125xi32, #tpu.memory_space<vmem>> -> memref<1x125xi32, #tpu.memory_space<vmem>>
      %dma_wait3A_73 = tpu.memref_squeeze %dma_wait3A_72 : memref<1x125xi32, #tpu.memory_space<vmem>> -> memref<125xi32, #tpu.memory_space<vmem>>
      %dma_wait3A_74 = arith.constant 0 : i32
      %dma_wait3A_75 = arith.constant 0 : i32
      %dma_wait3A_76 = tpu.memref_slice %arg2[%dma_wait3A_74, %dma_wait3A_75] : memref<10000x128xf32, #tpu.memory_space<hbm>> -> memref<10000x128xf32, #tpu.memory_space<hbm>>
      tpu.wait_indirect_dma semaphore(%arg11 : memref<!tpu.dma_semaphore, #tpu.memory_space<semaphore_mem>>) src(%dma_wait3A_76 : memref<10000x128xf32, #tpu.memory_space<hbm>>) dst(%arg8 : memref<125x128xf32, #tpu.memory_space<vmem>>)
      "tpu.region"() ({
        %run_scoped3A = tpu.sem_alloc : memref<!tpu.dma_semaphore, #tpu.memory_space<semaphore_mem>>
        %dma_start3A_99 = arith.constant 0 : i32
        %dma_start3A_100 = tpu.memref_slice %arg7[%add3A_71, %dma_start3A_99] : memref<40x125xi32, #tpu.memory_space<vmem>> -> memref<1x125xi32, #tpu.memory_space<vmem>>
        %dma_start3A_101 = tpu.memref_squeeze %dma_start3A_100 : memref<1x125xi32, #tpu.memory_space<vmem>> -> memref<125xi32, #tpu.memory_space<vmem>>
        %dma_start3A_102 = arith.constant 0 : i32
        %dma_start3A_103 = arith.constant 0 : i32
        %dma_start3A_104 = tpu.memref_slice %arg10[%dma_start3A_102, %dma_start3A_103] : memref<10112x128xf32, #tpu.memory_space<vmem_shared>> -> memref<10112x128xf32, #tpu.memory_space<vmem_shared>>
        tpu.enqueue_indirect_dma source(%arg8 : memref<125x128xf32, #tpu.memory_space<vmem>>) target(%dma_start3A_104 : memref<10112x128xf32, #tpu.memory_space<vmem_shared>>) offsets(%dma_start3A_101 : memref<125xi32, #tpu.memory_space<vmem>>) semaphore(%run_scoped3A : memref<!tpu.dma_semaphore, #tpu.memory_space<semaphore_mem>>) {add = true}
        %dma_wait3A_105 = arith.constant 0 : i32
        %dma_wait3A_106 = tpu.memref_slice %arg7[%add3A_71, %dma_wait3A_105] : memref<40x125xi32, #tpu.memory_space<vmem>> -> memref<1x125xi32, #tpu.memory_space<vmem>>
        %dma_wait3A_107 = tpu.memref_squeeze %dma_wait3A_106 : memref<1x125xi32, #tpu.memory_space<vmem>> -> memref<125xi32, #tpu.memory_space<vmem>>
        %dma_wait3A_108 = arith.constant 0 : i32
        %dma_wait3A_109 = arith.constant 0 : i32
        %dma_wait3A_110 = tpu.memref_slice %arg10[%dma_wait3A_108, %dma_wait3A_109] : memref<10112x128xf32, #tpu.memory_space<vmem_shared>> -> memref<10112x128xf32, #tpu.memory_space<vmem_shared>>
        tpu.wait_indirect_dma semaphore(%run_scoped3A : memref<!tpu.dma_semaphore, #tpu.memory_space<semaphore_mem>>) src(%arg8 : memref<125x128xf32, #tpu.memory_space<vmem>>) dst(%dma_wait3A_110 : memref<10112x128xf32, #tpu.memory_space<vmem_shared>>)
        tpu.yield
      }) : () -> ()
      %add3A_77 = arith.constant 2 : i32
      %add3A_78 = arith.addi %add3A_71, %add3A_77 : i32
      %lt3A_79 = arith.constant 40 : i32
      %lt3A_80 = arith.cmpi slt, %add3A_78, %lt3A_79 : i32
      %convert_element_type3A_81 = arith.extui %lt3A_80 : i1 to i32
      %cond3A_82 = arith.constant 0 : i32
      %cond3A_83 = arith.cmpi ne, %convert_element_type3A_81, %cond3A_82 : i32
      scf.if %cond3A_83 {
        %add3A_99 = arith.constant 2 : i32
        %add3A_100 = arith.addi %add3A_71, %add3A_99 : i32
        %dma_start3A_101 = arith.constant 0 : i32
        %dma_start3A_102 = tpu.memref_slice %arg6[%add3A_100, %dma_start3A_101] : memref<40x125xi32, #tpu.memory_space<vmem>> -> memref<1x125xi32, #tpu.memory_space<vmem>>
        %dma_start3A_103 = tpu.memref_squeeze %dma_start3A_102 : memref<1x125xi32, #tpu.memory_space<vmem>> -> memref<125xi32, #tpu.memory_space<vmem>>
        %dma_start3A_104 = arith.constant 0 : i32
        %dma_start3A_105 = arith.constant 0 : i32
        %dma_start3A_106 = tpu.memref_slice %arg2[%dma_start3A_104, %dma_start3A_105] : memref<10000x128xf32, #tpu.memory_space<hbm>> -> memref<10000x128xf32, #tpu.memory_space<hbm>>
        tpu.enqueue_indirect_dma source(%dma_start3A_106 : memref<10000x128xf32, #tpu.memory_space<hbm>>) target(%arg8 : memref<125x128xf32, #tpu.memory_space<vmem>>) offsets(%dma_start3A_103 : memref<125xi32, #tpu.memory_space<vmem>>) semaphore(%arg11 : memref<!tpu.dma_semaphore, #tpu.memory_space<semaphore_mem>>)
      } else {
      }
      %add3A_84 = arith.constant 1 : i32
      %add3A_85 = arith.addi %mul3A_69, %add3A_84 : i32
      %dma_wait3A_86 = arith.constant 0 : i32
      %dma_wait3A_87 = tpu.memref_slice %arg6[%add3A_85, %dma_wait3A_86] : memref<40x125xi32, #tpu.memory_space<vmem>> -> memref<1x125xi32, #tpu.memory_space<vmem>>
      %dma_wait3A_88 = tpu.memref_squeeze %dma_wait3A_87 : memref<1x125xi32, #tpu.memory_space<vmem>> -> memref<125xi32, #tpu.memory_space<vmem>>
      %dma_wait3A_89 = arith.constant 0 : i32
      %dma_wait3A_90 = arith.constant 0 : i32
      %dma_wait3A_91 = tpu.memref_slice %arg2[%dma_wait3A_89, %dma_wait3A_90] : memref<10000x128xf32, #tpu.memory_space<hbm>> -> memref<10000x128xf32, #tpu.memory_space<hbm>>
      tpu.wait_indirect_dma semaphore(%arg12 : memref<!tpu.dma_semaphore, #tpu.memory_space<semaphore_mem>>) src(%dma_wait3A_91 : memref<10000x128xf32, #tpu.memory_space<hbm>>) dst(%arg9 : memref<125x128xf32, #tpu.memory_space<vmem>>)
      "tpu.region"() ({
        %run_scoped3A = tpu.sem_alloc : memref<!tpu.dma_semaphore, #tpu.memory_space<semaphore_mem>>
        %dma_start3A_99 = arith.constant 0 : i32
        %dma_start3A_100 = tpu.memref_slice %arg7[%add3A_85, %dma_start3A_99] : memref<40x125xi32, #tpu.memory_space<vmem>> -> memref<1x125xi32, #tpu.memory_space<vmem>>
        %dma_start3A_101 = tpu.memref_squeeze %dma_start3A_100 : memref<1x125xi32, #tpu.memory_space<vmem>> -> memref<125xi32, #tpu.memory_space<vmem>>
        %dma_start3A_102 = arith.constant 0 : i32
        %dma_start3A_103 = arith.constant 0 : i32
        %dma_start3A_104 = tpu.memref_slice %arg10[%dma_start3A_102, %dma_start3A_103] : memref<10112x128xf32, #tpu.memory_space<vmem_shared>> -> memref<10112x128xf32, #tpu.memory_space<vmem_shared>>
        tpu.enqueue_indirect_dma source(%arg9 : memref<125x128xf32, #tpu.memory_space<vmem>>) target(%dma_start3A_104 : memref<10112x128xf32, #tpu.memory_space<vmem_shared>>) offsets(%dma_start3A_101 : memref<125xi32, #tpu.memory_space<vmem>>) semaphore(%run_scoped3A : memref<!tpu.dma_semaphore, #tpu.memory_space<semaphore_mem>>) {add = true}
        %dma_wait3A_105 = arith.constant 0 : i32
        %dma_wait3A_106 = tpu.memref_slice %arg7[%add3A_85, %dma_wait3A_105] : memref<40x125xi32, #tpu.memory_space<vmem>> -> memref<1x125xi32, #tpu.memory_space<vmem>>
        %dma_wait3A_107 = tpu.memref_squeeze %dma_wait3A_106 : memref<1x125xi32, #tpu.memory_space<vmem>> -> memref<125xi32, #tpu.memory_space<vmem>>
        %dma_wait3A_108 = arith.constant 0 : i32
        %dma_wait3A_109 = arith.constant 0 : i32
        %dma_wait3A_110 = tpu.memref_slice %arg10[%dma_wait3A_108, %dma_wait3A_109] : memref<10112x128xf32, #tpu.memory_space<vmem_shared>> -> memref<10112x128xf32, #tpu.memory_space<vmem_shared>>
        tpu.wait_indirect_dma semaphore(%run_scoped3A : memref<!tpu.dma_semaphore, #tpu.memory_space<semaphore_mem>>) src(%arg9 : memref<125x128xf32, #tpu.memory_space<vmem>>) dst(%dma_wait3A_110 : memref<10112x128xf32, #tpu.memory_space<vmem_shared>>)
        tpu.yield
      }) : () -> ()
      %add3A_92 = arith.constant 2 : i32
      %add3A_93 = arith.addi %add3A_85, %add3A_92 : i32
      %lt3A_94 = arith.constant 40 : i32
      %lt3A_95 = arith.cmpi slt, %add3A_93, %lt3A_94 : i32
      %convert_element_type3A_96 = arith.extui %lt3A_95 : i1 to i32
      %cond3A_97 = arith.constant 0 : i32
      %cond3A_98 = arith.cmpi ne, %convert_element_type3A_96, %cond3A_97 : i32
      scf.if %cond3A_98 {
        %add3A_99 = arith.constant 2 : i32
        %add3A_100 = arith.addi %add3A_85, %add3A_99 : i32
        %dma_start3A_101 = arith.constant 0 : i32
        %dma_start3A_102 = tpu.memref_slice %arg6[%add3A_100, %dma_start3A_101] : memref<40x125xi32, #tpu.memory_space<vmem>> -> memref<1x125xi32, #tpu.memory_space<vmem>>
        %dma_start3A_103 = tpu.memref_squeeze %dma_start3A_102 : memref<1x125xi32, #tpu.memory_space<vmem>> -> memref<125xi32, #tpu.memory_space<vmem>>
        %dma_start3A_104 = arith.constant 0 : i32
        %dma_start3A_105 = arith.constant 0 : i32
        %dma_start3A_106 = tpu.memref_slice %arg2[%dma_start3A_104, %dma_start3A_105] : memref<10000x128xf32, #tpu.memory_space<hbm>> -> memref<10000x128xf32, #tpu.memory_space<hbm>>
        tpu.enqueue_indirect_dma source(%dma_start3A_106 : memref<10000x128xf32, #tpu.memory_space<hbm>>) target(%arg9 : memref<125x128xf32, #tpu.memory_space<vmem>>) offsets(%dma_start3A_103 : memref<125xi32, #tpu.memory_space<vmem>>) semaphore(%arg12 : memref<!tpu.dma_semaphore, #tpu.memory_space<semaphore_mem>>)
      } else {
      }
    }
    %scan3A_59 = arith.constant 20 : i32
    %barrier3A_60 = arith.constant 0 : index
    tpu.barrier barrier_id(%barrier3A_60)
    %lt3A = arith.constant 15 : i32
    %lt3A_61 = arith.cmpi slt, %arg1, %lt3A : i32
    %convert_element_type3A = arith.extui %lt3A_61 : i1 to i32
    %cond3A = arith.constant 0 : i32
    %cond3A_62 = arith.cmpi ne, %convert_element_type3A, %cond3A : i32
    scf.if %cond3A_62 {
      %mul3A_67 = arith.constant 632 : i32
      %mul3A_68 = arith.muli %arg1, %mul3A_67 : i32
      "tpu.region"() ({
        %run_scoped3A = tpu.sem_alloc : memref<!tpu.dma_semaphore, #tpu.memory_space<semaphore_mem>>
        %dma_start3A_69 = arith.constant 0 : i32
        %dma_start3A_70 = tpu.memref_slice %arg5[%arg0, %mul3A_68, %dma_start3A_69] : memref<2x10000x128xf32, #tpu.memory_space<hbm>> -> memref<1x632x128xf32, #tpu.memory_space<hbm>>
        %dma_start3A_71 = tpu.memref_squeeze %dma_start3A_70 : memref<1x632x128xf32, #tpu.memory_space<hbm>> -> memref<632x128xf32, #tpu.memory_space<hbm>>
        %dma_start3A_72 = arith.constant 0 : i32
        %dma_start3A_73 = tpu.memref_slice %arg10[%multiple_of3A, %dma_start3A_72] : memref<10112x128xf32, #tpu.memory_space<vmem_shared>> -> memref<632x128xf32, #tpu.memory_space<vmem_shared>>
        tpu.enqueue_dma source(%dma_start3A_73 : memref<632x128xf32, #tpu.memory_space<vmem_shared>>) target(%dma_start3A_71 : memref<632x128xf32, #tpu.memory_space<hbm>>) target_semaphore(%run_scoped3A : memref<!tpu.dma_semaphore, #tpu.memory_space<semaphore_mem>>)
        %dma_wait3A = arith.constant 0 : i32
        %dma_wait3A_74 = tpu.memref_slice %arg5[%arg0, %mul3A_68, %dma_wait3A] : memref<2x10000x128xf32, #tpu.memory_space<hbm>> -> memref<1x632x128xf32, #tpu.memory_space<hbm>>
        %dma_wait3A_75 = tpu.memref_squeeze %dma_wait3A_74 : memref<1x632x128xf32, #tpu.memory_space<hbm>> -> memref<632x128xf32, #tpu.memory_space<hbm>>
        %dma_wait3A_76 = arith.constant 0 : i32
        %dma_wait3A_77 = tpu.memref_slice %arg10[%multiple_of3A, %dma_wait3A_76] : memref<10112x128xf32, #tpu.memory_space<vmem_shared>> -> memref<632x128xf32, #tpu.memory_space<vmem_shared>>
        tpu.wait_dma2 semaphore(%run_scoped3A : memref<!tpu.dma_semaphore, #tpu.memory_space<semaphore_mem>>) src(%dma_wait3A_77 : memref<632x128xf32, #tpu.memory_space<vmem_shared>>) dst(%dma_wait3A_75 : memref<632x128xf32, #tpu.memory_space<hbm>>)
        tpu.yield
      }) : () -> ()
    } else {
    }
    %eq3A = arith.constant 15 : i32
    %eq3A_63 = arith.cmpi eq, %arg1, %eq3A : i32
    %convert_element_type3A_64 = arith.extui %eq3A_63 : i1 to i32
    %cond3A_65 = arith.constant 0 : i32
    %cond3A_66 = arith.cmpi ne, %convert_element_type3A_64, %cond3A_65 : i32
    scf.if %cond3A_66 {
      "tpu.region"() ({
        %run_scoped3A = tpu.sem_alloc : memref<!tpu.dma_semaphore, #tpu.memory_space<semaphore_mem>>
        %dma_start3A_67 = arith.constant 9480 : i32
        %dma_start3A_68 = arith.constant 0 : i32
        %dma_start3A_69 = tpu.memref_slice %arg5[%arg0, %dma_start3A_67, %dma_start3A_68] : memref<2x10000x128xf32, #tpu.memory_space<hbm>> -> memref<1x520x128xf32, #tpu.memory_space<hbm>>
        %dma_start3A_70 = tpu.memref_squeeze %dma_start3A_69 : memref<1x520x128xf32, #tpu.memory_space<hbm>> -> memref<520x128xf32, #tpu.memory_space<hbm>>
        %dma_start3A_71 = arith.constant 0 : i32
        %dma_start3A_72 = tpu.memref_slice %arg10[%multiple_of3A, %dma_start3A_71] : memref<10112x128xf32, #tpu.memory_space<vmem_shared>> -> memref<520x128xf32, #tpu.memory_space<vmem_shared>>
        tpu.enqueue_dma source(%dma_start3A_72 : memref<520x128xf32, #tpu.memory_space<vmem_shared>>) target(%dma_start3A_70 : memref<520x128xf32, #tpu.memory_space<hbm>>) target_semaphore(%run_scoped3A : memref<!tpu.dma_semaphore, #tpu.memory_space<semaphore_mem>>)
        %dma_wait3A = arith.constant 9480 : i32
        %dma_wait3A_73 = arith.constant 0 : i32
        %dma_wait3A_74 = tpu.memref_slice %arg5[%arg0, %dma_wait3A, %dma_wait3A_73] : memref<2x10000x128xf32, #tpu.memory_space<hbm>> -> memref<1x520x128xf32, #tpu.memory_space<hbm>>
        %dma_wait3A_75 = tpu.memref_squeeze %dma_wait3A_74 : memref<1x520x128xf32, #tpu.memory_space<hbm>> -> memref<520x128xf32, #tpu.memory_space<hbm>>
        %dma_wait3A_76 = arith.constant 0 : i32
        %dma_wait3A_77 = tpu.memref_slice %arg10[%multiple_of3A, %dma_wait3A_76] : memref<10112x128xf32, #tpu.memory_space<vmem_shared>> -> memref<520x128xf32, #tpu.memory_space<vmem_shared>>
        tpu.wait_dma2 semaphore(%run_scoped3A : memref<!tpu.dma_semaphore, #tpu.memory_space<semaphore_mem>>) src(%dma_wait3A_77 : memref<520x128xf32, #tpu.memory_space<vmem_shared>>) dst(%dma_wait3A_75 : memref<520x128xf32, #tpu.memory_space<hbm>>)
        tpu.yield
      }) : () -> ()
    } else {
    }
    return
  }
}

module attributes {stable_mosaic.version = 14 : i64} {
  func.func @body(%arg0: i32, %arg1: memref<1xi32, #tpu.memory_space<smem>>, %arg2: memref<2000x128xf32, #tpu.memory_space<vmem>>, %arg3: memref<2000x128xf32, #tpu.memory_space<vmem>>, %arg4: memref<2000x128xf32, #tpu.memory_space<vmem>>) attributes {dimension_semantics = [#tpu.dimension_semantics<arbitrary>], iteration_bounds = array<i64: 5>, scalar_prefetch = 0 : i64, scratch_operands = 0 : i64, tpu.core_type = #tpu.core_type<tc>, window_params = [{transform_indices = @transform_0, window_bounds = array<i64: 1>}, {transform_indices = @transform_1, window_bounds = array<i64: 2000, 128>}, {transform_indices = @transform_2, window_bounds = array<i64: 2000, 128>}, {transform_indices = @transform_3, window_bounds = array<i64: 2000, 128>}]} {
    %iota3A = tpu.iota {dimensions = array<i32: 0>} : vector<2000x128xi32>
    %mul3A = arith.constant 2000 : i32
    %mul3A_0 = arith.muli %arg0, %mul3A : i32
    %add3A = vector.broadcast %mul3A_0 : i32 to vector<2000x128xi32>
    %add3A_1 = arith.addi %iota3A, %add3A : vector<2000x128xi32>
    %get3A = arith.constant 0 : index
    %get3A_2 = arith.constant 0 : index
    %get3A_3 = vector.load %arg2[%get3A, %get3A_2] : memref<2000x128xf32, #tpu.memory_space<vmem>>, vector<2000x128xf32>
    %get3A_4 = arith.constant 0 : index
    %get3A_5 = arith.constant 0 : index
    %get3A_6 = vector.load %arg3[%get3A_4, %get3A_5] : memref<2000x128xf32, #tpu.memory_space<vmem>>, vector<2000x128xf32>
    %add3A_7 = arith.addf %get3A_3, %get3A_6 : vector<2000x128xf32>
    %get3A_8 = arith.constant 0 : index
    %get3A_9 = memref.load %arg1[%get3A_8] : memref<1xi32, #tpu.memory_space<smem>>
    %lt3A = vector.broadcast %get3A_9 : i32 to vector<2000x128xi32>
    %lt3A_10 = arith.cmpi slt, %add3A_1, %lt3A : vector<2000x128xi32>
    %jit3A = arith.constant 0.000000e+00 : f32
    %broadcast_in_dim3A = vector.broadcast %jit3A : f32 to vector<2000x128xf32>
    %select_n3A = arith.select %lt3A_10, %add3A_7, %broadcast_in_dim3A : vector<2000x128xi1>, vector<2000x128xf32>
    %swap3A = arith.constant 0 : index
    %swap3A_11 = arith.constant 0 : index
    %swap3A_12 = vector.load %arg4[%swap3A, %swap3A_11] : memref<2000x128xf32, #tpu.memory_space<vmem>>, vector<2000x128xf32>
    tpu.vector_store %arg4[%swap3A, %swap3A_11], %select_n3A {strides = array<i32>} : memref<2000x128xf32, #tpu.memory_space<vmem>>, vector<2000x128xf32>,
    return
  }
  func.func @transform_0(%arg0: i32) -> i32 {
    %c0_i32 = arith.constant 0 : i32
    %c0_i32_0 = arith.constant 0 : i32
    return %c0_i32 : i32
  }
  func.func @transform_1(%arg0: i32) -> (i32, i32) {
    %c0_i32 = arith.constant 0 : i32
    %c0_i32_0 = arith.constant 0 : i32
    return %arg0, %c0_i32 : i32, i32
  }
  func.func @transform_2(%arg0: i32) -> (i32, i32) {
    %c0_i32 = arith.constant 0 : i32
    %c0_i32_0 = arith.constant 0 : i32
    return %arg0, %c0_i32 : i32, i32
  }
  func.func @transform_3(%arg0: i32) -> (i32, i32) {
    %c0_i32 = arith.constant 0 : i32
    %c0_i32_0 = arith.constant 0 : i32
    return %arg0, %c0_i32 : i32, i32
  }
}

</mosaic_0001>

<sc_bundles>
// kernel: kernel.4.cloned.1.call-start
scs
__scs_entry_jumppad:
0x0: {  	(pc) =	sbr.rel $0x88, $3  }
0x1: {  	(tag) =	ssettag $0x0;
	lr =	simm.s32 $0x1  }
0x2: {  	[smem:$0x3F9E] =	sst lr;
	_ =	strace $0xD0000000  }
0x3: {  	_ = 	snop  }
0x4: {  	_ = 	snop  }
0x5: {  	_ = 	snop  }
0x6: {  	_ = 	snop  }
0x7: {  	_ = 	snop  }
__scs_overlays_trampoline_lowered:
0x8: {  	[smem:$0x3FAD] =	sst s0  }
0x9: {  	[smem:$0x3FAE] =	sst s1  }
0xa: {  	[smem:$0x3FAF] =	sst s2  }
0xb: {  	[smem:$0x3FB0] =	sst s3  }
0xc: {  	[smem:$0x3FB1] =	sst s4  }
0xd: {  	[smem:$0x3FB2] =	sst s5  }
0xe: {  	[smem:$0x3FB3] =	sst s6  }
0xf: {  	[smem:$0x3FB4] =	sst s7  }
0x10: {  	[smem:$0x3FB5] =	sst s8  }
0x11: {  	[smem:$0x3FB6] =	sst s9;
	s0 =	simm.s32 @!p0 $0x0  }
0x12: {  	s1 =	sld [smem:$0x3F9C];
	s0 =	simm.s32 @p0 $0x1  }
0x13: {  	[smem:$0x3FB7] =	sst s0;
	s0 =	simm.s32 @!p1 $0x0  }
0x14: {  	s2 =	sld [smem:$0x3F9B];
	s0 =	simm.s32 @p1 $0x1  }
0x15: {  	[smem:$0x3FB8] =	sst s0;
	s0 =	simm.s32 @!p2 $0x0  }
0x16: {  	s3 =	sld [smem:$0x3FDB];
	s0 =	simm.s32 @p2 $0x1  }
0x17: {  	s4 =	simm.s32 $0x1BF5;
	[smem:$0x3FBA] =	sst s0  }
0x18: {  	s0 =	sld [smem:$0x3F9D];
	_ =	swait.ge [sflag:s4], $0x0  }
0x19: {  	s7 =	sld [smem:$0x3F9E]  }
0x1a: {  	s8 =	sadd.s32 $0xFFFFE003, lr  }
0x1b: {  	s9 =	sadd.s32 $0xFFFFFEF7, lr;
	s5 =	simm.s32 $0xFFFFFFFF;
	p2 =	slt.u32 s8, $0xFFFFF086  }
0x1c: {  	p1 =	slt.u32 s9, $0xF7A;
	s5 =	simm.s32 @!p2 $0x0  }
0x1d: {  	s5 =	simm.s32 @p1 $0x1;
	p0 =	seq.s32 s7, s2  }
0x1e: {  	s7 =	smul.u32 @!p0 $0xF7A, s2;
	p2 =	seq.s32 @!p0 s5, $0x0  }
0x1f: {  	s9 =	smul.u32 $0xF7A, s1;
	s8 =	simm.s32 @!p0 $0x1BF5;
	p2 =	por !p2, p0  }
0x20: {  	[sflag:s8] =	ssyncset.s32 @!p0 $0xFFFFF086;
	s6 =	sadd.s32 @!p0 s3, s7;
	s7 =	simm.s32 @!p0 $0x108  }
0x21: {  	s3 =	sadd.s32 s3, s9;
	s6 =	sadd.s32 @!p0 $0x88, s6;
	s7 =	simm.s32 @p2 $0x1082  }
0x22: {  	[simem:s7], [sflag:s8] =	dma.local @!p0 [hbm:s6], $0xF7A  }
0x23: {  	s9 =	sor.u32 $0xD0000000, s2;
	s6 =	simm.s32 $0x108;
	_ =	swait.ge @!p0 [sflag:s8], $0x0  }
0x24: {  	s3 =	sadd.s32 $0x88, s3;
	s6 =	simm.s32 @!p1 $0x1082;
	[sflag:s4] =	ssyncset.s32 $0xFFFFF086  }
0x25: {  	[simem:s6], [sflag:s4] =	dma.local [hbm:s3], $0xF7A  }
0x26: {  	[smem:$0x3F9E] =	sst s1;
	(tag) =	ssettag s2;
	_ =	strace s9  }
0x27: {  	s1 =	sld [smem:$0x3FAE]  }
0x28: {  	s2 =	sld [smem:$0x3FAF]  }
0x29: {  	s4 =	sld [smem:$0x3FB1]  }
0x2a: {  	p0 =	seq.s32 s5, $0x0;
	s5 =	sld [smem:$0x3FB2]  }
0x2b: {  	s6 =	sld [smem:$0x3FB3]  }
0x2c: {  	s7 =	sld [smem:$0x3FB4]  }
0x2d: {  	s3 =	simm.s32 $0x108;
	s8 =	sld [smem:$0x3FB5]  }
0x2e: {  	s3 =	simm.s32 @!p0 $0x1082;
	s9 =	sld [smem:$0x3FB6]  }
0x2f: {  	lr =	sadd.s32 s0, s3;
	s0 =	sld [smem:$0x3FAD]  }
0x30: {  	s3 =	sld [smem:$0x3FB0]  }
0x31: {  	[smem:$0x3FB9] =	sst s10  }
0x32: {  	s10 =	sld [smem:$0x3FB7];
	_ =	sdelay $0x3  }
0x33: {  	p0 =	seq.s32 s10, $0x1;
	s10 =	sld [smem:$0x3FB9];
	_ =	sdelay $0x3  }
0x34: {  	[smem:$0x3FB9] =	sst s10  }
0x35: {  	s10 =	sld [smem:$0x3FB8];
	_ =	sdelay $0x3  }
0x36: {  	p1 =	seq.s32 s10, $0x1;
	s10 =	sld [smem:$0x3FB9];
	_ =	sdelay $0x3  }
0x37: {  	[smem:$0x3FB9] =	sst s10  }
0x38: {  	s10 =	sld [smem:$0x3FBA]  }
0x39: {  	_ = 	snop;
	(pc) =	sbr.ind lr, $3  }
0x3a: {  	_ = 	snop  }
0x3b: {  	_ = 	snop  }
0x3c: {  	p2 =	seq.s32 s10, $0x1;
	s10 =	sld [smem:$0x3FB9]  }
0x3d: {  	_ =	shalt  }
0x3e: {  	_ =	shalt  }
0x3f: {  	_ =	shalt  }
0x40: {  	_ =	shalt  }
0x41: {  	_ =	shalt  }
0x42: {  	_ =	shalt  }
0x43: {  	_ =	shalt  }
0x44: {  	_ =	shalt  }
0x45: {  	_ =	shalt  }
0x46: {  	_ =	shalt  }
0x47: {  	_ =	shalt  }
0x48: {  	_ =	shalt  }
0x49: {  	_ =	shalt  }
0x4a: {  	_ =	shalt  }
0x4b: {  	_ =	shalt  }
0x4c: {  	_ =	shalt  }
0x4d: {  	_ =	shalt  }
0x4e: {  	_ =	shalt  }
0x4f: {  	_ =	shalt  }
0x50: {  	_ =	shalt  }
0x51: {  	_ =	shalt  }
0x52: {  	_ =	shalt  }
0x53: {  	_ =	shalt  }
0x54: {  	_ =	shalt  }
0x55: {  	_ =	shalt  }
0x56: {  	_ =	shalt  }
0x57: {  	_ =	shalt  }
0x58: {  	_ =	shalt  }
0x59: {  	_ =	shalt  }
0x5a: {  	_ =	shalt  }
0x5b: {  	_ =	shalt  }
0x5c: {  	_ =	shalt  }
0x5d: {  	_ =	shalt  }
0x5e: {  	_ =	shalt  }
0x5f: {  	_ =	shalt  }
0x60: {  	_ =	shalt  }
0x61: {  	_ =	shalt  }
0x62: {  	_ =	shalt  }
0x63: {  	_ =	shalt  }
0x64: {  	_ =	shalt  }
0x65: {  	_ =	shalt  }
0x66: {  	_ =	shalt  }
0x67: {  	_ =	shalt  }
0x68: {  	_ =	shalt  }
0x69: {  	_ =	shalt  }
0x6a: {  	_ =	shalt  }
0x6b: {  	_ =	shalt  }
0x6c: {  	_ =	shalt  }
0x6d: {  	_ =	shalt  }
0x6e: {  	_ =	shalt  }
0x6f: {  	_ =	shalt  }
0x70: {  	_ =	shalt  }
0x71: {  	_ =	shalt  }
0x72: {  	_ =	shalt  }
0x73: {  	_ =	shalt  }
0x74: {  	_ =	shalt  }
0x75: {  	_ =	shalt  }
0x76: {  	_ =	shalt  }
0x77: {  	_ =	shalt  }
0x78: {  	_ =	shalt  }
0x79: {  	_ =	shalt  }
0x7a: {  	_ =	shalt  }
0x7b: {  	_ =	shalt  }
0x7c: {  	_ =	shalt  }
0x7d: {  	_ =	shalt  }
0x7e: {  	_ =	shalt  }
0x7f: {  	_ =	shalt  }
0x80: {  	_ =	shalt  }
0x81: {  	_ =	shalt  }
0x82: {  	_ =	shalt  }
0x83: {  	_ =	shalt  }
0x84: {  	_ =	shalt  }
0x85: {  	_ =	shalt  }
0x86: {  	_ =	shalt  }
0x87: {  	_ =	shalt  }
.Lfunc_end0:
.L_simem_size_0:
called_computation_lowered:
.L_overlay_start_0:
0x88: {  	s2 =	sld [smem:$0x3FD9]  }
0x89: {  	s3 =	sld [smem:$0x3FFE];
	_ =	sdelay $0x1  }
0x8a: {  	s1 =	srdreg.scid  }
0x8b: {  	s0 =	sand.u32 $0x1, s1  }
0x8c: {  	s17 =	sshll.u32 s0, $0xA;
	s2 =	sadd.s32 s3, s2  }
0x8d: {  	s2 =	sadd.s32 s2, s17  }
0x8e: {  	[smem:$0x3FC5] =	sst s2  }
0x8f: {  	_ = 	snop  }
0x90: {  	s2 =	sld [smem:$0x3FC9]  }
0x91: {  	s18 =	sld [smem:$0x3FD0];
	(tm) =	ssettm $0x1  }
0x92: {  	s4 =	sld [smem:$0x3FFB];
	_ =	sdelay $0x3  }
0x93: {  	_ =	strace s4  }
0x94: {  	s4 =	sld [smem:$0x3FFC];
	_ =	sdelay $0x3  }
0x95: {  	_ =	strace s4  }
0x96: {  	s4 =	sld [smem:$0x3FFD];
	_ =	sdelay $0x3  }
0x97: {  	_ =	strace s4  }
0x98: {  	_ =	strace $0x8FFFFFFF  }
0x99: {  	s19 =	sld [smem:$0x3FDB];
	_ =	sdelay $0x1  }
0x9a: {  	s5 =	simm.s32 $_scs_section_size  }
0x9b: {  	s6 =	simm.s32 $_size__tile_overlayer_lowered;
	s7 =	simm.s32 $_tile_overlayer_lowered  }
0x9c: {  	s22 =	simm.s32 $0x1BFF;
	s21 =	sshll.u32 s7, $0x1;
	s4 =	sadd.s32 s5, s19  }
0x9d: {  	s8 =	simm.s32 $0x0;
	s20 =	sshll.u32 s6, $0x1;
	s6 =	sadd.s32 s21, s4  }
0x9e: {  	[timem:s8], [sflag:s22] =	dma.local [hbm:s6], s20  }
0x9f: {  	_ =	swait.ge [sflag:s22], s20  }
0xa0: {  	s5 =	ssub.s32 $0x0, s20;
	[sflag:s22] =	ssyncset.done $0x0  }
0xa1: {  	[sflag:s22] =	ssyncadd.s32 s5;
	_ =	sdelay $0x1  }
0xa2: {  	s23 =	simm.s32 $0x1B8B  }
0xa3: {  	_ =	swait.ge [sflag:s23], $0x1  }
0xa4: {  	[sflag:s23] =	ssyncset.done $0x0  }
0xa5: {  	s25 =	simm.s32 $0x1B8E;
	s24 =	sld [smem:$0x3FFE];
	[sflag:s23] =	ssyncadd.s32 $0xFFFFFFFF  }
0xa6: {  	s26 =	simm.s32 $execute0_lowered;
	[smem:$0x3FD2] =	sst s25  }
0xa7: {  	s6 =	sshll.u32 s26, $0x1;
	_ =	strace $0x80000046;
	[dreg:$0x1] =	wrdreg $0xFFFFFFFF  }
0xa8: {  	s28 =	simm.s32 $_size_execute0_lowered;
	s4 =	sadd.s32 s4, s6;
	[dreg:$0x0] =	wrdreg $0x0  }
0xa9: {  	s6 =	sshll.u32 s28, $0x1;
	[dreg:$0x2] =	wrdreg s4  }
0xaa: {  	[dreg:$0x3] =	wrdreg s6  }
0xab: {  	[dreg:$0x4] =	wrdreg $0xC0  }
0xac: {  	_ =	task [dreg:s8], $0x5FFFF  }
0xad: {  	[dreg:$0x1] =	wrdreg $0xFFFFFFFF  }
0xae: {  	[dreg:$0x0] =	wrdreg $0x60  }
0xaf: {  	[dreg:$0x2] =	wrdreg s2  }
0xb0: {  	[dreg:$0x3] =	wrdreg s18  }
0xb1: {  	[dreg:$0x4] =	wrdreg s24  }
0xb2: {  	[dreg:$0x5] =	wrdreg $0xA8000  }
0xb3: {  	[dreg:$0x6] =	wrdreg $0x9  }
0xb4: {  	_ =	task.clear_ibuf [dreg:s8], $0x7FFFF;
	_ =	strace $0x90000046  }
0xb5: {  	s29 =	simm.s32 $0x9;
	_ =	strace $0x80000048  }
0xb6: {  	_ =	swait.ge [sflag:s29], $0x1  }
0xb7: {  	[sflag:s29] =	ssyncadd.s32 $0xFFFFFFFF  }
0xb8: {  	_ =	strace $0x90000048  }
0xb9: {  	_ =	sfence  }
0xba: {  	s30 =	sld [smem:$0x0];
	_ =	sdelay $0x2  }
0xbb: {  	s31 =	sshll.u32 s1, $0xD;
	s1 =	sshrl.u32 s1, $0x2  }
0xbc: {  	s3 =	sand.u32 $0x4000, s31;
	s1 =	sadd.s32 s1, s30  }
0xbd: {  	s0 =	sor.u32 s3, s0;
	s1 =	sshll.u32 s1, $0x11  }
0xbe: {  	s0 =	sor.u32 s1, s0  }
0xbf: {  	s0 =	sadd.s32 $0x8F2B, s0  }
0xc0: {  	[sflag:s0] =	ssyncadd.remote.s32 $0x1  }
0xc1: {  	_ =	sfence.sel $0xFFFF  }
0xc2: {  	[dreg:$0x0] =	wrdreg $0xFFFFFFFF;
	(pc) =	sbr.abs _section_cstart, $3  }
0xc3: {  	[dreg:$0x1] =	wrdreg $0xFFFFFFFF  }
0xc4: {  	_ =	task.clear_ibuf [dreg:s8], $0x2FFFF;
	_ =	strace $0x9FFFFFFF  }
0xc5: {  	(tm) =	ssettm $0x7FFFFFFF  }
tec
execute0_lowered:
.L_overlay_start_1:
0x0: {  	(tag) =	ssettag $0x1  }
0x1: {  	s1 =	rddreg [dreg:$0x0]  }
0x2: {  	s13 =	rddreg [dreg:$0x1]  }
0x3: {  	s5 =	rddreg [dreg:$0x2]  }
0x4: {  	s3 =	rddreg [dreg:$0x3]  }
0x5: {  	s0 =	rddreg [dreg:$0x4]  }
0x6: {  	s4 =	simm.s32 $0x0;
	s2 =	stileid.u32;
	s6 =	srdreg.scid  }
0x7: {  	s20 =	simm.s32 $0x1400;
	s21 =	simm.s32 $0x7D;
	s22 =	simm.s32 $0x80  }
0x8: {  	s23 =	simm.s32 $0x6800;
	s24 =	simm.s32 $0x1;
	s25 =	simm.s32 $0x2  }
0x9: {  	s26 =	simm.s32 $0x2700;
	s28 =	simm.s32 $0x2780;
	[smem:$0x7FF] =	sst s4  }
0xa: {  	s7 =	smul.u32 $0x4F000, s2;
	s14 =	sadd.s32 $0x400, s5;
	s15 =	sadd.s32 $0xA400, s5  }
0xb: {  	s9 =	sand.u32 $0x1, s6;
	s31 =	sshll.u32 s2, $0x1;
	s19 =	smul.u32 $0x13C00, s2  }
0xc: {  	p0 =	seq.s32 s2, $0xF;
	_ =	strace $0x80000047;
	s6 =	ssub.s32 $0x2, s9  }
0xd: {  	s10 =	sor.u32 s9, s31;
	s16 =	smul.u32 $0x138800, s9;
	s7 =	sshrl.u32 s7, $0x2  }
0xe: {  	s8 =	sshrl.u32 s6, $0x1;
	s10 =	smul.u32 $0x2800, s10;
	s5 =	sadd.s32 s7, s3  }
0xf: {  	s17 =	ssub.s32 s6, s8;
	s19 =	sadd.s32 s19, s16;
	s16 =	sshrl.u32 s16, $0x3  }
0x10: {  	s6 =	sadd.s32 $0x3C00, s5;
	s7 =	sadd.s32 $0x7800, s5;
	s8 =	sadd.s32 $0xB400, s5  }
0x11: {  	s9 =	sadd.s32 $0xF000, s5;
	s18 =	sshrl.u32 s10, $0x3;
	s10 =	sadd.s32 $0x12C00, s5  }
0x12: {  	s19 =	sshrl.u32 s19, $0x3;
	s16 =	sadd.s32 s15, s16;
	s17 =	smax.u32 s17, $0x1  }
0x13: {  	s11 =	sadd.s32 s13, s18;
	s12 =	sadd.s32 s14, s18;
	s18 =	sadd.s32 $0x280, s18  }
0x14: {  	s15 =	sadd.s32 s15, s19;
	s16 =	sadd.s32 $0x25080, s16;
	s19 =	simm.s32 $0x3  }
0x15: {  	v0 =	vimm.f32 $0.0e+00;
	s13 =	sadd.s32 s13, s18;
	s14 =	sadd.s32 s14, s18;
	s18 =	simm.s32 $0x2800  }
.LBB2_1:
0x16: {  	s29 =	simm.s32 $0x0;
	s30 =	simm.s32 $0x200  }
.LBB2_2:
0x17: {  	p1 =	sne.s32 s30, $0xF800;
	[tilespmem:s29+$0x2870] =	vst v0  }
0x18: {  	[tilespmem:s29+$0x2800] =	vst v0  }
0x19: {  	[tilespmem:s29+$0x2810] =	vst v0  }
.Ltmp0:
0x1a: {  	[tilespmem:s29+$0x2820] =	vst v0;
	(pc) =	sbr.rel @p1 .LBB2_2-.Ltmp0, $4  }
0x1b: {  	[tilespmem:s29+$0x2830] =	vst v0  }
0x1c: {  	[tilespmem:s29+$0x2840] =	vst v0  }
0x1d: {  	[tilespmem:s29+$0x2850] =	vst v0  }
0x1e: {  	[tilespmem:s29+$0x2860] =	vst v0;
	s29 =	sshra.s32 s30, $0x2;
	s30 =	sadd.s32 $0x200, s30  }
0x1f: {  	[tilespmem:s29+$0x2870] =	vst v0  }
0x20: {  	[tilespmem:s29+$0x2800] =	vst v0  }
0x21: {  	[tilespmem:s29+$0x2810] =	vst v0  }
0x22: {  	[tilespmem:s29+$0x2820] =	vst v0  }
0x23: {  	[tilespmem:s29+$0x2830] =	vst v0  }
0x24: {  	[tilespmem:s29+$0x2840] =	vst v0  }
0x25: {  	[tilespmem:s29+$0x2850] =	vst v0  }
0x26: {  	[tilespmem:s29+$0x2860] =	vst v0  }
0x27: {  	[spmem:s5] =	stream.linear.scatter [tilespmem:s18], [sflag:$0x3], $0x3C00, $0x38;
	[tilespmem:$0x1E400] =	vst v63  }
0x28: {  	_ =	swait.ge [sflag:s19], $0x3C00  }
0x29: {  	[sflag:s19] =	ssyncset.done $0x0  }
0x2a: {  	[sflag:s19] =	ssyncadd.s32 $0xFFFFC400  }
0x2b: {  	[spmem:s6] =	stream.linear.scatter [tilespmem:s18], [sflag:$0x3], $0x3C00, $0x38;
	[tilespmem:$0x1E400] =	vst v63  }
0x2c: {  	_ =	swait.ge [sflag:s19], $0x3C00  }
0x2d: {  	[sflag:s19] =	ssyncset.done $0x0  }
0x2e: {  	[sflag:s19] =	ssyncadd.s32 $0xFFFFC400  }
0x2f: {  	[spmem:s7] =	stream.linear.scatter [tilespmem:s18], [sflag:$0x3], $0x3C00, $0x38;
	[tilespmem:$0x1E400] =	vst v63  }
0x30: {  	_ =	swait.ge [sflag:s19], $0x3C00  }
0x31: {  	[sflag:s19] =	ssyncset.done $0x0  }
0x32: {  	[sflag:s19] =	ssyncadd.s32 $0xFFFFC400  }
0x33: {  	[spmem:s8] =	stream.linear.scatter [tilespmem:s18], [sflag:$0x3], $0x3C00, $0x38;
	[tilespmem:$0x1E400] =	vst v63  }
0x34: {  	_ =	swait.ge [sflag:s19], $0x3C00  }
0x35: {  	[sflag:s19] =	ssyncset.done $0x0  }
0x36: {  	[sflag:s19] =	ssyncadd.s32 $0xFFFFC400  }
0x37: {  	[spmem:s9] =	stream.linear.scatter [tilespmem:s18], [sflag:$0x3], $0x3C00, $0x38;
	[tilespmem:$0x1E400] =	vst v63  }
0x38: {  	_ =	swait.ge [sflag:s19], $0x3C00  }
0x39: {  	[sflag:s19] =	ssyncset.done $0x0  }
0x3a: {  	[sflag:s19] =	ssyncadd.s32 $0xFFFFC400  }
0x3b: {  	[spmem:s10] =	stream.linear.scatter [tilespmem:s18], [sflag:$0x3], $0x1000, $0x38;
	[tilespmem:$0x1E400] =	vst v63  }
0x3c: {  	_ =	swait.ge [sflag:s19], $0x1000  }
0x3d: {  	[sflag:s19] =	ssyncset.done $0x0  }
0x3e: {  	[sflag:s19] =	ssyncadd.s32 $0xFFFFF000  }
0x3f: {  	s29 =	simm.s32 $0x0;
	[bflag:$0x0] =	sbarrier.arrive $0xFFFF  }
0x40: {  	[tilespmem:s29], [sflag:$0x3] =	stream.linear.gather [hbm4b:s11+s29], $0x1400, $0x38;
	[tilespmem:$0x1E400] =	vst v63  }
0x41: {  	_ =	swait.ge [sflag:s19], $0x1400  }
0x42: {  	[sflag:s19] =	ssyncset.done $0x0  }
0x43: {  	[sflag:s19] =	ssyncadd.s32 $0xFFFFEC00  }
0x44: {  	[tilespmem:s20], [sflag:$0x3] =	stream.linear.gather [hbm4b:s12+s29], $0x1400, $0x38;
	[tilespmem:$0x1E400] =	vst v63  }
0x45: {  	_ =	swait.ge [sflag:s19], $0x1400  }
0x46: {  	[sflag:s19] =	ssyncset.done $0x0  }
0x47: {  	[sflag:s19] =	ssyncadd.s32 $0xFFFFEC00  }
0x48: {  	[tilespmem:s18], [sflag:$0x1] =	stream.indirect.gather [hbm4b:s1+s21], $0x80, s29, s21, $0xb8;
	[tilespmem:$0x1E400] =	vst v63  }
0x49: {  	_ = 	snop  }
0x4a: {  	[tilespmem:s23], [sflag:$0x2] =	stream.indirect.gather [hbm4b:s1+s21], $0x80, s22, s21, $0xb8;
	[tilespmem:$0x1E400] =	vst v63  }
0x4b: {  	_ =	swait.ge [sflag:s24], $0x3E80  }
0x4c: {  	[sflag:s24] =	ssyncset.done $0x0  }
0x4d: {  	s29 =	simm.s32 $0x1400;
	[sflag:s24] =	ssyncadd.s32 $0xFFFFC180  }
0x4e: {  	[spmem:s3] =	stream.indirect.scatter.add.f32 [tilespmem:s18], [sflag:$0x3], $0x80, s29, s21, $0xb8;
	[tilespmem:$0x1E400] =	vst v63  }
0x4f: {  	_ =	swait.ge [sflag:s19], $0x3E80  }
0x50: {  	[sflag:s19] =	ssyncset.done $0x0  }
0x51: {  	s29 =	simm.s32 $0x100;
	[sflag:s19] =	ssyncadd.s32 $0xFFFFC180  }
0x52: {  	[tilespmem:s18], [sflag:$0x1] =	stream.indirect.gather [hbm4b:s1+s21], $0x80, s29, s21, $0xb8;
	[tilespmem:$0x1E400] =	vst v63  }
0x53: {  	_ =	swait.ge [sflag:s25], $0x3E80  }
0x54: {  	[sflag:s25] =	ssyncset.done $0x0  }
0x55: {  	s29 =	simm.s32 $0x1480;
	[sflag:s25] =	ssyncadd.s32 $0xFFFFC180  }
0x56: {  	[spmem:s3] =	stream.indirect.scatter.add.f32 [tilespmem:s23], [sflag:$0x3], $0x80, s29, s21, $0xb8;
	[tilespmem:$0x1E400] =	vst v63  }
0x57: {  	_ =	swait.ge [sflag:s19], $0x3E80  }
0x58: {  	[sflag:s19] =	ssyncset.done $0x0  }
0x59: {  	s30 =	simm.s32 $0x180;
	s29 =	simm.s32 $0x400;
	[sflag:s19] =	ssyncadd.s32 $0xFFFFC180  }
.LBB2_4:
0x5a: {  	[tilespmem:s23], [sflag:$0x2] =	stream.indirect.gather [hbm4b:s1+s21], $0x80, s30, s21, $0xb8;
	[tilespmem:$0x1E400] =	vst v63  }
0x5b: {  	s30 =	smov.u32 s29  }
0x5c: {  	p1 =	sne.s32 s29, $0x4800;
	s29 =	sadd.s32 $0x400, s29;
	_ =	swait.ge [sflag:s24], $0x3E80  }
0x5d: {  	s30 =	sshra.s32 s30, $0x2;
	[sflag:s24] =	ssyncset.done $0x0  }
0x5e: {  	s31 =	sadd.s32 $0x1400, s30;
	[sflag:s24] =	ssyncadd.s32 $0xFFFFC180  }
0x5f: {  	[spmem:s3] =	stream.indirect.scatter.add.f32 [tilespmem:s18], [sflag:$0x3], $0x80, s31, s21, $0xb8;
	[tilespmem:$0x1E400] =	vst v63  }
0x60: {  	_ =	swait.ge [sflag:s19], $0x3E80  }
0x61: {  	[sflag:s19] =	ssyncset.done $0x0  }
0x62: {  	s31 =	sadd.s32 $0x100, s30;
	[sflag:s19] =	ssyncadd.s32 $0xFFFFC180  }
0x63: {  	[tilespmem:s18], [sflag:$0x1] =	stream.indirect.gather [hbm4b:s1+s21], $0x80, s31, s21, $0xb8;
	[tilespmem:$0x1E400] =	vst v63  }
0x64: {  	_ =	swait.ge [sflag:s25], $0x3E80  }
0x65: {  	[sflag:s25] =	ssyncset.done $0x0  }
.Ltmp1:
0x66: {  	s31 =	sadd.s32 $0x1480, s30;
	[sflag:s25] =	ssyncadd.s32 $0xFFFFC180;
	(pc) =	sbr.rel @p1 .LBB2_4-.Ltmp1, $4  }
0x67: {  	[spmem:s3] =	stream.indirect.scatter.add.f32 [tilespmem:s23], [sflag:$0x3], $0x80, s31, s21, $0xb8;
	[tilespmem:$0x1E400] =	vst v63  }
0x68: {  	_ =	swait.ge [sflag:s19], $0x3E80  }
0x69: {  	[sflag:s19] =	ssyncset.done $0x0  }
0x6a: {  	s30 =	sadd.s32 $0x180, s30;
	[sflag:s19] =	ssyncadd.s32 $0xFFFFC180  }
0x6b: {  	[tilespmem:s23], [sflag:$0x2] =	stream.indirect.gather [hbm4b:s1+s21], $0x80, s30, s21, $0xb8;
	[tilespmem:$0x1E400] =	vst v63  }
0x6c: {  	_ =	swait.ge [sflag:s24], $0x3E80  }
0x6d: {  	[sflag:s24] =	ssyncset.done $0x0  }
0x6e: {  	[sflag:s24] =	ssyncadd.s32 $0xFFFFC180  }
0x6f: {  	[spmem:s3] =	stream.indirect.scatter.add.f32 [tilespmem:s18], [sflag:$0x3], $0x80, s26, s21, $0xb8;
	[tilespmem:$0x1E400] =	vst v63  }
0x70: {  	_ =	swait.ge [sflag:s19], $0x3E80  }
0x71: {  	[sflag:s19] =	ssyncset.done $0x0  }
0x72: {  	[sflag:s19] =	ssyncadd.s32 $0xFFFFC180  }
0x73: {  	_ =	swait.ge [sflag:s25], $0x3E80  }
0x74: {  	[sflag:s25] =	ssyncset.done $0x0  }
0x75: {  	[sflag:s25] =	ssyncadd.s32 $0xFFFFC180  }
0x76: {  	[spmem:s3] =	stream.indirect.scatter.add.f32 [tilespmem:s23], [sflag:$0x3], $0x80, s28, s21, $0xb8;
	[tilespmem:$0x1E400] =	vst v63  }
0x77: {  	_ =	swait.ge [sflag:s19], $0x3E80  }
0x78: {  	[sflag:s19] =	ssyncset.done $0x0  }
0x79: {  	s29 =	simm.s32 $0x0;
	[sflag:s19] =	ssyncadd.s32 $0xFFFFC180  }
0x7a: {  	[tilespmem:s29], [sflag:$0x3] =	stream.linear.gather [hbm4b:s13+s29], $0x1400, $0x38;
	[tilespmem:$0x1E400] =	vst v63  }
0x7b: {  	_ =	swait.ge [sflag:s19], $0x1400  }
0x7c: {  	[sflag:s19] =	ssyncset.done $0x0  }
0x7d: {  	[sflag:s19] =	ssyncadd.s32 $0xFFFFEC00  }
0x7e: {  	[tilespmem:s20], [sflag:$0x3] =	stream.linear.gather [hbm4b:s14+s29], $0x1400, $0x38;
	[tilespmem:$0x1E400] =	vst v63  }
0x7f: {  	_ =	swait.ge [sflag:s19], $0x1400  }
0x80: {  	[sflag:s19] =	ssyncset.done $0x0  }
0x81: {  	[sflag:s19] =	ssyncadd.s32 $0xFFFFEC00  }
0x82: {  	[tilespmem:s18], [sflag:$0x1] =	stream.indirect.gather [hbm4b:s1+s21], $0x80, s29, s21, $0xb8;
	[tilespmem:$0x1E400] =	vst v63  }
0x83: {  	_ = 	snop  }
0x84: {  	[tilespmem:s23], [sflag:$0x2] =	stream.indirect.gather [hbm4b:s1+s21], $0x80, s22, s21, $0xb8;
	[tilespmem:$0x1E400] =	vst v63  }
0x85: {  	_ =	swait.ge [sflag:s24], $0x3E80  }
0x86: {  	[sflag:s24] =	ssyncset.done $0x0  }
0x87: {  	s29 =	simm.s32 $0x1400;
	[sflag:s24] =	ssyncadd.s32 $0xFFFFC180  }
0x88: {  	[spmem:s3] =	stream.indirect.scatter.add.f32 [tilespmem:s18], [sflag:$0x3], $0x80, s29, s21, $0xb8;
	[tilespmem:$0x1E400] =	vst v63  }
0x89: {  	_ =	swait.ge [sflag:s19], $0x3E80  }
0x8a: {  	[sflag:s19] =	ssyncset.done $0x0  }
0x8b: {  	s29 =	simm.s32 $0x100;
	[sflag:s19] =	ssyncadd.s32 $0xFFFFC180  }
0x8c: {  	[tilespmem:s18], [sflag:$0x1] =	stream.indirect.gather [hbm4b:s1+s21], $0x80, s29, s21, $0xb8;
	[tilespmem:$0x1E400] =	vst v63  }
0x8d: {  	_ =	swait.ge [sflag:s25], $0x3E80  }
0x8e: {  	[sflag:s25] =	ssyncset.done $0x0  }
0x8f: {  	s29 =	simm.s32 $0x1480;
	[sflag:s25] =	ssyncadd.s32 $0xFFFFC180  }
0x90: {  	[spmem:s3] =	stream.indirect.scatter.add.f32 [tilespmem:s23], [sflag:$0x3], $0x80, s29, s21, $0xb8;
	[tilespmem:$0x1E400] =	vst v63  }
0x91: {  	_ =	swait.ge [sflag:s19], $0x3E80  }
0x92: {  	[sflag:s19] =	ssyncset.done $0x0  }
0x93: {  	s30 =	simm.s32 $0x180;
	s29 =	simm.s32 $0x400;
	[sflag:s19] =	ssyncadd.s32 $0xFFFFC180  }
.LBB2_6:
0x94: {  	[tilespmem:s23], [sflag:$0x2] =	stream.indirect.gather [hbm4b:s1+s21], $0x80, s30, s21, $0xb8;
	[tilespmem:$0x1E400] =	vst v63  }
0x95: {  	s30 =	smov.u32 s29  }
0x96: {  	p1 =	sne.s32 s29, $0x4800;
	s29 =	sadd.s32 $0x400, s29;
	_ =	swait.ge [sflag:s24], $0x3E80  }
0x97: {  	s30 =	sshra.s32 s30, $0x2;
	[sflag:s24] =	ssyncset.done $0x0  }
0x98: {  	s31 =	sadd.s32 $0x1400, s30;
	[sflag:s24] =	ssyncadd.s32 $0xFFFFC180  }
0x99: {  	[spmem:s3] =	stream.indirect.scatter.add.f32 [tilespmem:s18], [sflag:$0x3], $0x80, s31, s21, $0xb8;
	[tilespmem:$0x1E400] =	vst v63  }
0x9a: {  	_ =	swait.ge [sflag:s19], $0x3E80  }
0x9b: {  	[sflag:s19] =	ssyncset.done $0x0  }
0x9c: {  	s31 =	sadd.s32 $0x100, s30;
	[sflag:s19] =	ssyncadd.s32 $0xFFFFC180  }
0x9d: {  	[tilespmem:s18], [sflag:$0x1] =	stream.indirect.gather [hbm4b:s1+s21], $0x80, s31, s21, $0xb8;
	[tilespmem:$0x1E400] =	vst v63  }
0x9e: {  	_ =	swait.ge [sflag:s25], $0x3E80  }
0x9f: {  	[sflag:s25] =	ssyncset.done $0x0  }
.Ltmp2:
0xa0: {  	s31 =	sadd.s32 $0x1480, s30;
	[sflag:s25] =	ssyncadd.s32 $0xFFFFC180;
	(pc) =	sbr.rel @p1 .LBB2_6-.Ltmp2, $4  }
0xa1: {  	[spmem:s3] =	stream.indirect.scatter.add.f32 [tilespmem:s23], [sflag:$0x3], $0x80, s31, s21, $0xb8;
	[tilespmem:$0x1E400] =	vst v63  }
0xa2: {  	_ =	swait.ge [sflag:s19], $0x3E80  }
0xa3: {  	[sflag:s19] =	ssyncset.done $0x0  }
0xa4: {  	s30 =	sadd.s32 $0x180, s30;
	[sflag:s19] =	ssyncadd.s32 $0xFFFFC180  }
0xa5: {  	[tilespmem:s23], [sflag:$0x2] =	stream.indirect.gather [hbm4b:s1+s21], $0x80, s30, s21, $0xb8;
	[tilespmem:$0x1E400] =	vst v63  }
0xa6: {  	_ =	swait.ge [sflag:s24], $0x3E80  }
0xa7: {  	[sflag:s24] =	ssyncset.done $0x0  }
0xa8: {  	[sflag:s24] =	ssyncadd.s32 $0xFFFFC180  }
0xa9: {  	[spmem:s3] =	stream.indirect.scatter.add.f32 [tilespmem:s18], [sflag:$0x3], $0x80, s26, s21, $0xb8;
	[tilespmem:$0x1E400] =	vst v63  }
0xaa: {  	_ =	swait.ge [sflag:s19], $0x3E80  }
0xab: {  	[sflag:s19] =	ssyncset.done $0x0  }
0xac: {  	[sflag:s19] =	ssyncadd.s32 $0xFFFFC180  }
0xad: {  	_ =	swait.ge [sflag:s25], $0x3E80  }
0xae: {  	[sflag:s25] =	ssyncset.done $0x0  }
0xaf: {  	[sflag:s25] =	ssyncadd.s32 $0xFFFFC180  }
0xb0: {  	[spmem:s3] =	stream.indirect.scatter.add.f32 [tilespmem:s23], [sflag:$0x3], $0x80, s28, s21, $0xb8;
	[tilespmem:$0x1E400] =	vst v63  }
0xb1: {  	_ =	swait.ge [sflag:s19], $0x3E80  }
0xb2: {  	[sflag:s19] =	ssyncset.done $0x0  }
0xb3: {  	[sflag:s19] =	ssyncadd.s32 $0xFFFFC180  }
0xb4: {  	s29 =	sshrl.u32 @p0 s5, $0x3;
	s30 =	simm.s32 @p0 $0x1FC3;
	[bflag:$0x0] =	sbarrier.arrive $0xFFFF  }
0xb5: {  	[hbm:s16], [sflag:s30] =	dma.local @p0 [spmem:s29], $0x2080  }
0xb6: {  	s29 =	simm.s32 @p0 $0x3  }
0xb7: {  	s4 =	sadd.s32 $0x1, s4;
	_ =	swait.ge @p0 [sflag:s29], $0x2080  }
0xb8: {  	p1 =	sne.s32 s4, s17;
	s30 =	sshll.u32 @!p0 s2, $0x6;
	[sflag:s29] =	ssyncset.done @p0 $0x0  }
0xb9: {  	[sflag:s29] =	ssyncadd.s32 @p0 $0xFFFFDF80;
	s29 =	sor.u32 @!p0 $0x1C03, s30;
	s30 =	sshrl.u32 @!p0 s5, $0x3  }
0xba: {  	[hbm:s15], [sflag:s29] =	dma.local @!p0 [spmem:s30], $0x2780  }
.Ltmp3:
0xbb: {  	_ = 	snop;
	(pc) =	sbr.rel @p1 .LBB2_1-.Ltmp3, $4  }
0xbc: {  	s29 =	simm.s32 @!p0 $0x3  }
0xbd: {  	_ =	swait.ge @!p0 [sflag:s29], $0x2780  }
0xbe: {  	[sflag:s29] =	ssyncset.done @!p0 $0x0  }
0xbf: {  	[sflag:s29] =	ssyncadd.s32 @!p0 $0xFFFFD880  }
0xc0: {  	_ =	sfence.sel $0x180000  }
0xc1: {  	[bflag:$0x0] =	sbarrier.arrive $0xFFFF  }
0xc2: {  	p0 =	sne.s32 s2, $0x0;
	_ =	strace $0x90000047  }
0xc3: {  	s0 =	sadd.s32 @!p0 $0x100000, s0;
	[bflag:$0x2] =	sbarrier.arrive $0xFFFF  }
0xc4: {  	[sflag:s0] =	ssyncadd.tile.s32 @!p0 $0x1;
	_ =	shalt  }
.Lfunc_end2:
_tile_overlayer_lowered:
.L_overlay_start_2:
0xc5: {  	(tag) =	ssettag $0x2  }
0xc6: {  	s0 =	rddreg [dreg:$0x0];
	s2 =	stileid.u32  }
0xc7: {  	s1 =	rddreg [dreg:$0x1];
	p0 =	sne.s32 s2, $0x0  }
0xc8: {  	s3 =	rddreg [dreg:$0x2];
	[bflag:$0x3] =	sbarrier.arrive $0xFFFF;
	s2 =	simm.s32 @!p0 $0x1C03  }
0xc9: {  	[timem:s3], [sflag:s2] =	dma.local @!p0 [hbm:s0], s1  }
0xca: {  	s0 =	simm.s32 @!p0 $0x3  }
0xcb: {  	_ =	swait.ge @!p0 [sflag:s0], s1  }
0xcc: {  	s1 =	ssub.s32 @!p0 $0x0, s1;
	[sflag:s0] =	ssyncset.done @!p0 $0x0  }
0xcd: {  	[sflag:s0] =	ssyncadd.s32 @!p0 s1  }
0xce: {  	[bflag:$0x3] =	sbarrier.arrive $0xFFFF  }
0xcf: {  	_ =	shalt  }

</sc_bundles>
